<compile_context>
chip_gen: v7x
topology: tpu7x:2x2x1
jax: 0.10.2.dev20260603
libtpu: 0.0.44.dev20260713+nightly
codegen_flags: <defaults>
</compile_context>

<pallas_src>
import jax
import jax.numpy as jnp
from jax import lax
from jax.experimental import pallas as pl
from jax.experimental.pallas import tpu as pltpu
from jax.experimental.pallas import tpu_sc as plsc

N = 10000
E = 320000
D = 128

NC = 2
NS = 16
NW = NC * NS
CH = 128
NCH = 79
EPW = CH * NCH
EPAD = NW * EPW
NP = 10240
RPT = NP // NS
PAD_DST = NP - 8


_MESH = plsc.VectorSubcoreMesh(core_axis_name="c", subcore_axis_name="s")


def _make_sc_agg(with_cnt):
  def body(*refs):
    if with_cnt:
      (x_hbm, src_hbm, dst_hbm, zrow_hbm, ones_hbm,
       agg_out, cnt_out, src_v, dst_v, rows_v, agg_sh, sem) = refs
    else:
      (x_hbm, src_hbm, dst_hbm, zrow_hbm,
       agg_out, src_v, dst_v, rows_v, agg_sh, sem) = refs

    c = lax.axis_index("c")
    s = lax.axis_index("s")
    wid = c * NS + s
    base = s * RPT

    pltpu.sync_copy(src_hbm.at[wid], src_v)
    pltpu.sync_copy(dst_hbm.at[wid], dst_v)
    pltpu.sync_copy(zrow_hbm, agg_sh.at[pl.ds(base, RPT)])
    plsc.subcore_barrier()

    def chunk(j, carry):
      pltpu.async_copy(x_hbm.at[src_v.at[j]], rows_v, sem).wait()
      pltpu.sync_copy(rows_v, agg_sh.at[dst_v.at[j]], add=True)
      return carry

    lax.fori_loop(0, NCH, chunk, 0)
    plsc.subcore_barrier()

    pltpu.sync_copy(agg_sh.at[pl.ds(base, RPT)],
                    agg_out.at[c].at[pl.ds(base, RPT)])

    if with_cnt:
      pltpu.sync_copy(zrow_hbm, agg_sh.at[pl.ds(base, RPT)])
      pltpu.sync_copy(ones_hbm, rows_v)
      plsc.subcore_barrier()

      def chunk2(j, carry):
        pltpu.sync_copy(rows_v, agg_sh.at[dst_v.at[j]], add=True)
        return carry

      lax.fori_loop(0, NCH, chunk2, 0)
      plsc.subcore_barrier()
      pltpu.sync_copy(agg_sh.at[pl.ds(base, RPT)],
                      cnt_out.at[c].at[pl.ds(base, RPT)])

  out_type = [jax.ShapeDtypeStruct((NC, NP, D), jnp.float32)]
  if with_cnt:
    out_type.append(jax.ShapeDtypeStruct((NC, NP, D), jnp.float32))
  return pl.kernel(
      body,
      out_type=tuple(out_type) if with_cnt else out_type[0],
      mesh=_MESH,
      scratch_types=[
          pltpu.VMEM((NCH, CH), jnp.int32),
          pltpu.VMEM((NCH, CH), jnp.int32),
          pltpu.VMEM((CH, D), jnp.float32),
          pltpu.VMEM_SHARED((NP, D), jnp.float32),
          pltpu.SemaphoreType.DMA,
      ])


_sc_agg_cnt = _make_sc_agg(True)
_sc_agg = _make_sc_agg(False)

RB = 1000


def _tc_xw(x_ref, w_ref, xw_ref):
  xw_ref[...] = jnp.dot(x_ref[...], w_ref[...],
                        preferred_element_type=jnp.float32)


def _tc_layer1(xw_ref, a0_ref, a1_ref, c0_ref, c1_ref,
               w1lt_ref, b1l_ref, h1_ref):
  cnt = c0_ref[:, 0:1] + c1_ref[:, 0:1]
  inv = 1.0 / jnp.maximum(cnt, 1.0)
  mean = (a0_ref[...] + a1_ref[...]) * inv
  h1 = (jnp.dot(mean, w1lt_ref[...], preferred_element_type=jnp.float32)
        + b1l_ref[...] + xw_ref[...])
  h1_ref[...] = jnp.maximum(h1, 0.0)


def _tc_hw(h1_ref, w2rt_ref, wl1t_ref, hw_ref, hl_ref):
  h1 = h1_ref[...]
  hw_ref[...] = jnp.dot(h1, w2rt_ref[...], preferred_element_type=jnp.float32)
  hl_ref[...] = jnp.dot(h1, wl1t_ref[...], preferred_element_type=jnp.float32)


def _tc_layer2(hw_ref, hl_ref, a0_ref, a1_ref, c0_ref, c1_ref,
               w2lt_ref, b2l_ref, wl2t_ref, blin_ref, out_ref):
  cnt = c0_ref[:, 0:1] + c1_ref[:, 0:1]
  inv = 1.0 / jnp.maximum(cnt, 1.0)
  mean = (a0_ref[...] + a1_ref[...]) * inv
  h2 = (jnp.dot(mean, w2lt_ref[...], preferred_element_type=jnp.float32)
        + b2l_ref[...] + hw_ref[...])
  h2 = jnp.maximum(h2, 0.0)
  out = (jnp.dot(h2, wl2t_ref[...], preferred_element_type=jnp.float32)
         + hl_ref[...] + blin_ref[...])
  out_ref[...] = jnp.maximum(out, 0.0)


def _row_spec(width):
  return pl.BlockSpec((RB, width), lambda i: (i, 0))


def _full_spec(shape):
  return pl.BlockSpec(shape, lambda i: tuple(0 for _ in shape))


def kernel(x, edge_index, W1l, b1l, W1r, W2l, b2l, W2r, Wlin, blin):
  src = jnp.concatenate(
      [edge_index[0].astype(jnp.int32),
       jnp.zeros((EPAD - E,), jnp.int32)]).reshape(NW, NCH, CH)
  dst = jnp.concatenate(
      [edge_index[1].astype(jnp.int32),
       jnp.full((EPAD - E,), PAD_DST, jnp.int32)]).reshape(NW, NCH, CH)
  zrow = jnp.zeros((RPT, D), jnp.float32)
  ones = jnp.ones((CH, D), jnp.float32)

  grid = (N // RB,)
  agg1, cnt = _sc_agg_cnt(x, src, dst, zrow, ones)
  xw = pl.pallas_call(
      _tc_xw,
      grid=grid,
      in_specs=[_row_spec(D), _full_spec((D, D))],
      out_specs=_row_spec(D),
      out_shape=jax.ShapeDtypeStruct((N, D), jnp.float32),
  )(x, W1r.T)
  c0 = cnt[0]
  c1 = cnt[1]

  h1 = pl.pallas_call(
      _tc_layer1,
      grid=grid,
      in_specs=[_row_spec(D), _row_spec(D), _row_spec(D),
                _row_spec(D), _row_spec(D),
                _full_spec((D, D)), _full_spec((D,))],
      out_specs=_row_spec(D),
      out_shape=jax.ShapeDtypeStruct((N, D), jnp.float32),
  )(xw, agg1[0], agg1[1], c0, c1, W1l.T, b1l)

  agg2 = _sc_agg(h1, src, dst, zrow)
  hw, hl = pl.pallas_call(
      _tc_hw,
      grid=grid,
      in_specs=[_row_spec(D), _full_spec((D, D)), _full_spec((D, D))],
      out_specs=[_row_spec(D), _row_spec(D)],
      out_shape=[jax.ShapeDtypeStruct((N, D), jnp.float32),
                 jax.ShapeDtypeStruct((N, D), jnp.float32)],
  )(h1, W2r.T, Wlin[:, :D].T)

  out = pl.pallas_call(
      _tc_layer2,
      grid=grid,
      in_specs=[_row_spec(D), _row_spec(D), _row_spec(D), _row_spec(D),
                _row_spec(D), _row_spec(D),
                _full_spec((D, D)), _full_spec((D,)),
                _full_spec((D, D)), _full_spec((D,))],
      out_specs=_row_spec(D),
      out_shape=jax.ShapeDtypeStruct((N, D), jnp.float32),
  )(hw, hl, agg2[0], agg2[1], c0, c1, W2l.T, b2l, Wlin[:, D:].T, blin)
  return out

# --- scband reference (transcript-rebuilt; emitter-appended) ---
"""Pipeline reference for scband-conv-block-80607946211552 (READ-ONLY COPY).

The authoritative reference and input builder live on the scoring server;
editing this copy changes nothing except your own understanding.
"""

import jax, jax.numpy as jnp
import numpy as np

N = 10000
E = 320000
D_IN = 128
D_HID = 128
D_OUT = 128


def setup_inputs(seed: int = 0) -> dict:
    key = jax.random.key(seed)
    ks = jax.random.split(key, 12)
    x = jax.random.normal(ks[0], (N, D_IN), dtype=jnp.float32)
    edge_index = jax.random.randint(ks[1], (2, E), 0, N, dtype=jnp.int64)
    s1 = 1.0 / np.sqrt(D_IN)
    s2 = 1.0 / np.sqrt(D_HID)
    s3 = 1.0 / np.sqrt(D_HID * 2)
    # SAGEConv 1: lin_l (with bias), lin_r (no bias)
    W1l = jax.random.uniform(ks[2], (D_HID, D_IN), minval=-s1, maxval=s1, dtype=jnp.float32)
    b1l = jax.random.uniform(ks[3], (D_HID,), minval=-s1, maxval=s1, dtype=jnp.float32)
    W1r = jax.random.uniform(ks[4], (D_HID, D_IN), minval=-s1, maxval=s1, dtype=jnp.float32)
    # SAGEConv 2
    W2l = jax.random.uniform(ks[5], (D_OUT, D_HID), minval=-s2, maxval=s2, dtype=jnp.float32)
    b2l = jax.random.uniform(ks[6], (D_OUT,), minval=-s2, maxval=s2, dtype=jnp.float32)
    W2r = jax.random.uniform(ks[7], (D_OUT, D_HID), minval=-s2, maxval=s2, dtype=jnp.float32)
    # final Linear(hidden*2, out)
    Wlin = jax.random.uniform(ks[8], (D_OUT, D_HID * 2), minval=-s3, maxval=s3, dtype=jnp.float32)
    blin = jax.random.uniform(ks[9], (D_OUT,), minval=-s3, maxval=s3, dtype=jnp.float32)
    return {"x": x, "edge_index": edge_index, "W1l": W1l, "b1l": b1l, "W1r": W1r,
            "W2l": W2l, "b2l": b2l, "W2r": W2r, "Wlin": Wlin, "blin": blin}


def _sage_conv(x, src, dst, Wl, bl, Wr):
    # mean aggregation of neighbor messages at destination nodes
    msg = jnp.take(x, src, axis=0)
    agg = jax.ops.segment_sum(msg, dst, num_segments=N)
    cnt = jax.ops.segment_sum(jnp.ones((src.shape[0],), dtype=x.dtype), dst, num_segments=N)
    mean = agg / jnp.clip(cnt, 1.0)[:, None]
    return mean @ Wl.T + bl + x @ Wr.T


def reference(x, edge_index, W1l, b1l, W1r, W2l, b2l, W2r, Wlin, blin):
    src = edge_index[0]
    dst = edge_index[1]
    h1 = jax.nn.relu(_sage_conv(x, src, dst, W1l, b1l, W1r))
    h2 = jax.nn.relu(_sage_conv(h1, src, dst, W2l, b2l, W2r))
    # JumpingKnowledge mode='cat'
    h = jnp.concatenate([h1, h2], axis=-1)
    out = jax.nn.relu(h @ Wlin.T + blin)
    return out

if __name__ == "__main__":
    import jax
    _d = setup_inputs()
    print(jax.jit(kernel)(*tuple(_d.values())))

</pallas_src>

<mosaic_0001>
#map = affine_map<(d0, d1) -> (0, 0)>
#map1 = affine_map<(d0, d1) -> (0, 0, 0)>
module attributes {stable_mosaic.version = 14 : i64} {
  func.func @body(%arg0: i32, %arg1: i32, %arg2: memref<10000x128xf32, #tpu.memory_space<hbm>>, %arg3: memref<32x79x128xi32, #tpu.memory_space<hbm>>, %arg4: memref<32x79x128xi32, #tpu.memory_space<hbm>>, %arg5: memref<640x128xf32, #tpu.memory_space<hbm>>, %arg6: memref<2x10240x128xf32, #tpu.memory_space<hbm>>, %arg7: memref<79x128xi32, #tpu.memory_space<vmem>>, %arg8: memref<79x128xi32, #tpu.memory_space<vmem>>, %arg9: memref<128x128xf32, #tpu.memory_space<vmem>>, %arg10: memref<10240x128xf32, #tpu.memory_space<vmem_shared>>, %arg11: memref<!tpu.dma_semaphore, #tpu.memory_space<semaphore_mem>>) attributes {dimension_semantics = [#tpu.dimension_semantics<core_parallel>, #tpu.dimension_semantics<subcore_parallel>], iteration_bounds = array<i64: 2, 16>, scalar_prefetch = 0 : i64, scratch_operands = 5 : i64, tpu.core_type = #tpu.core_type<sc_vector_subcore>, window_params = [{transform_indices = #map}, {transform_indices = #map1}, {transform_indices = #map1}, {transform_indices = #map}, {transform_indices = #map1}]} {
    %mul3A = arith.constant 16 : i32
    %mul3A_0 = arith.muli %arg0, %mul3A : i32
    %add3A = arith.addi %mul3A_0, %arg1 : i32
    %mul3A_1 = arith.constant 640 : i32
    %mul3A_2 = arith.muli %arg1, %mul3A_1 : i32
    "tpu.region"() ({
      %run_scoped3A = tpu.sem_alloc : memref<!tpu.dma_semaphore, #tpu.memory_space<semaphore_mem>>
      %dma_start3A = arith.constant 0 : i32
      %dma_start3A_9 = arith.constant 0 : i32
      %dma_start3A_10 = tpu.memref_slice %arg3[%add3A, %dma_start3A, %dma_start3A_9] : memref<32x79x128xi32, #tpu.memory_space<hbm>> -> memref<1x79x128xi32, #tpu.memory_space<hbm>>
      %dma_start3A_11 = tpu.memref_squeeze %dma_start3A_10 : memref<1x79x128xi32, #tpu.memory_space<hbm>> -> memref<79x128xi32, #tpu.memory_space<hbm>>
      %dma_start3A_12 = arith.constant 0 : i32
      %dma_start3A_13 = arith.constant 0 : i32
      %dma_start3A_14 = tpu.memref_slice %arg3[%add3A, %dma_start3A_12, %dma_start3A_13] : memref<32x79x128xi32, #tpu.memory_space<hbm>> -> memref<1x79x128xi32, #tpu.memory_space<hbm>>
      %dma_start3A_15 = tpu.memref_squeeze %dma_start3A_14 : memref<1x79x128xi32, #tpu.memory_space<hbm>> -> memref<79x128xi32, #tpu.memory_space<hbm>>
      tpu.enqueue_dma source(%dma_start3A_15 : memref<79x128xi32, #tpu.memory_space<hbm>>) target(%arg7 : memref<79x128xi32, #tpu.memory_space<vmem>>) target_semaphore(%run_scoped3A : memref<!tpu.dma_semaphore, #tpu.memory_space<semaphore_mem>>)
      %dma_wait3A = arith.constant 0 : i32
      %dma_wait3A_16 = arith.constant 0 : i32
      %dma_wait3A_17 = tpu.memref_slice %arg3[%add3A, %dma_wait3A, %dma_wait3A_16] : memref<32x79x128xi32, #tpu.memory_space<hbm>> -> memref<1x79x128xi32, #tpu.memory_space<hbm>>
      %dma_wait3A_18 = tpu.memref_squeeze %dma_wait3A_17 : memref<1x79x128xi32, #tpu.memory_space<hbm>> -> memref<79x128xi32, #tpu.memory_space<hbm>>
      %dma_wait3A_19 = arith.constant 0 : i32
      %dma_wait3A_20 = arith.constant 0 : i32
      %dma_wait3A_21 = tpu.memref_slice %arg3[%add3A, %dma_wait3A_19, %dma_wait3A_20] : memref<32x79x128xi32, #tpu.memory_space<hbm>> -> memref<1x79x128xi32, #tpu.memory_space<hbm>>
      %dma_wait3A_22 = tpu.memref_squeeze %dma_wait3A_21 : memref<1x79x128xi32, #tpu.memory_space<hbm>> -> memref<79x128xi32, #tpu.memory_space<hbm>>
      tpu.wait_dma2 semaphore(%run_scoped3A : memref<!tpu.dma_semaphore, #tpu.memory_space<semaphore_mem>>) src(%dma_wait3A_22 : memref<79x128xi32, #tpu.memory_space<hbm>>) dst(%arg7 : memref<79x128xi32, #tpu.memory_space<vmem>>)
      tpu.yield
    }) : () -> ()
    "tpu.region"() ({
      %run_scoped3A = tpu.sem_alloc : memref<!tpu.dma_semaphore, #tpu.memory_space<semaphore_mem>>
      %dma_start3A = arith.constant 0 : i32
      %dma_start3A_9 = arith.constant 0 : i32
      %dma_start3A_10 = tpu.memref_slice %arg4[%add3A, %dma_start3A, %dma_start3A_9] : memref<32x79x128xi32, #tpu.memory_space<hbm>> -> memref<1x79x128xi32, #tpu.memory_space<hbm>>
      %dma_start3A_11 = tpu.memref_squeeze %dma_start3A_10 : memref<1x79x128xi32, #tpu.memory_space<hbm>> -> memref<79x128xi32, #tpu.memory_space<hbm>>
      %dma_start3A_12 = arith.constant 0 : i32
      %dma_start3A_13 = arith.constant 0 : i32
      %dma_start3A_14 = tpu.memref_slice %arg4[%add3A, %dma_start3A_12, %dma_start3A_13] : memref<32x79x128xi32, #tpu.memory_space<hbm>> -> memref<1x79x128xi32, #tpu.memory_space<hbm>>
      %dma_start3A_15 = tpu.memref_squeeze %dma_start3A_14 : memref<1x79x128xi32, #tpu.memory_space<hbm>> -> memref<79x128xi32, #tpu.memory_space<hbm>>
      tpu.enqueue_dma source(%dma_start3A_15 : memref<79x128xi32, #tpu.memory_space<hbm>>) target(%arg8 : memref<79x128xi32, #tpu.memory_space<vmem>>) target_semaphore(%run_scoped3A : memref<!tpu.dma_semaphore, #tpu.memory_space<semaphore_mem>>)
      %dma_wait3A = arith.constant 0 : i32
      %dma_wait3A_16 = arith.constant 0 : i32
      %dma_wait3A_17 = tpu.memref_slice %arg4[%add3A, %dma_wait3A, %dma_wait3A_16] : memref<32x79x128xi32, #tpu.memory_space<hbm>> -> memref<1x79x128xi32, #tpu.memory_space<hbm>>
      %dma_wait3A_18 = tpu.memref_squeeze %dma_wait3A_17 : memref<1x79x128xi32, #tpu.memory_space<hbm>> -> memref<79x128xi32, #tpu.memory_space<hbm>>
      %dma_wait3A_19 = arith.constant 0 : i32
      %dma_wait3A_20 = arith.constant 0 : i32
      %dma_wait3A_21 = tpu.memref_slice %arg4[%add3A, %dma_wait3A_19, %dma_wait3A_20] : memref<32x79x128xi32, #tpu.memory_space<hbm>> -> memref<1x79x128xi32, #tpu.memory_space<hbm>>
      %dma_wait3A_22 = tpu.memref_squeeze %dma_wait3A_21 : memref<1x79x128xi32, #tpu.memory_space<hbm>> -> memref<79x128xi32, #tpu.memory_space<hbm>>
      tpu.wait_dma2 semaphore(%run_scoped3A : memref<!tpu.dma_semaphore, #tpu.memory_space<semaphore_mem>>) src(%dma_wait3A_22 : memref<79x128xi32, #tpu.memory_space<hbm>>) dst(%arg8 : memref<79x128xi32, #tpu.memory_space<vmem>>)
      tpu.yield
    }) : () -> ()
    "tpu.region"() ({
      %run_scoped3A = tpu.sem_alloc : memref<!tpu.dma_semaphore, #tpu.memory_space<semaphore_mem>>
      %dma_start3A = arith.constant 0 : i32
      %dma_start3A_9 = tpu.memref_slice %arg10[%mul3A_2, %dma_start3A] : memref<10240x128xf32, #tpu.memory_space<vmem_shared>> -> memref<640x128xf32, #tpu.memory_space<vmem_shared>>
      tpu.enqueue_dma source(%arg5 : memref<640x128xf32, #tpu.memory_space<hbm>>) target(%dma_start3A_9 : memref<640x128xf32, #tpu.memory_space<vmem_shared>>) target_semaphore(%run_scoped3A : memref<!tpu.dma_semaphore, #tpu.memory_space<semaphore_mem>>)
      %dma_wait3A = arith.constant 0 : i32
      %dma_wait3A_10 = tpu.memref_slice %arg10[%mul3A_2, %dma_wait3A] : memref<10240x128xf32, #tpu.memory_space<vmem_shared>> -> memref<640x128xf32, #tpu.memory_space<vmem_shared>>
      tpu.wait_dma2 semaphore(%run_scoped3A : memref<!tpu.dma_semaphore, #tpu.memory_space<semaphore_mem>>) src(%arg5 : memref<640x128xf32, #tpu.memory_space<hbm>>) dst(%dma_wait3A_10 : memref<640x128xf32, #tpu.memory_space<vmem_shared>>)
      tpu.yield
    }) : () -> ()
    %barrier3A = arith.constant 0 : index
    tpu.barrier barrier_id(%barrier3A)
    %scan3A = arith.constant 0 : i32
    %scan3A_3 = arith.constant 0 : i32
    %scan3A_4 = arith.constant 79 : i32
    %scan3A_5 = arith.addi %scan3A_3, %scan3A_4 : i32
    %scan3A_6 = arith.constant 1 : i32
    scf.for %scan3A_9 = %scan3A_3 to %scan3A_5 step %scan3A_6  : i32 {
      %dma_start3A = arith.constant 0 : i32
      %dma_start3A_10 = tpu.memref_slice %arg7[%scan3A_9, %dma_start3A] : memref<79x128xi32, #tpu.memory_space<vmem>> -> memref<1x128xi32, #tpu.memory_space<vmem>>
      %dma_start3A_11 = tpu.memref_squeeze %dma_start3A_10 : memref<1x128xi32, #tpu.memory_space<vmem>> -> memref<128xi32, #tpu.memory_space<vmem>>
      %dma_start3A_12 = arith.constant 0 : i32
      %dma_start3A_13 = arith.constant 0 : i32
      %dma_start3A_14 = tpu.memref_slice %arg2[%dma_start3A_12, %dma_start3A_13] : memref<10000x128xf32, #tpu.memory_space<hbm>> -> memref<10000x128xf32, #tpu.memory_space<hbm>>
      tpu.enqueue_indirect_dma source(%dma_start3A_14 : memref<10000x128xf32, #tpu.memory_space<hbm>>) target(%arg9 : memref<128x128xf32, #tpu.memory_space<vmem>>) offsets(%dma_start3A_11 : memref<128xi32, #tpu.memory_space<vmem>>) semaphore(%arg11 : memref<!tpu.dma_semaphore, #tpu.memory_space<semaphore_mem>>)
      %dma_wait3A = arith.constant 0 : i32
      %dma_wait3A_15 = tpu.memref_slice %arg7[%scan3A_9, %dma_wait3A] : memref<79x128xi32, #tpu.memory_space<vmem>> -> memref<1x128xi32, #tpu.memory_space<vmem>>
      %dma_wait3A_16 = tpu.memref_squeeze %dma_wait3A_15 : memref<1x128xi32, #tpu.memory_space<vmem>> -> memref<128xi32, #tpu.memory_space<vmem>>
      %dma_wait3A_17 = arith.constant 0 : i32
      %dma_wait3A_18 = arith.constant 0 : i32
      %dma_wait3A_19 = tpu.memref_slice %arg2[%dma_wait3A_17, %dma_wait3A_18] : memref<10000x128xf32, #tpu.memory_space<hbm>> -> memref<10000x128xf32, #tpu.memory_space<hbm>>
      tpu.wait_indirect_dma semaphore(%arg11 : memref<!tpu.dma_semaphore, #tpu.memory_space<semaphore_mem>>) src(%dma_wait3A_19 : memref<10000x128xf32, #tpu.memory_space<hbm>>) dst(%arg9 : memref<128x128xf32, #tpu.memory_space<vmem>>)
      "tpu.region"() ({
        %run_scoped3A = tpu.sem_alloc : memref<!tpu.dma_semaphore, #tpu.memory_space<semaphore_mem>>
        %dma_start3A_20 = arith.constant 0 : i32
        %dma_start3A_21 = tpu.memref_slice %arg8[%scan3A_9, %dma_start3A_20] : memref<79x128xi32, #tpu.memory_space<vmem>> -> memref<1x128xi32, #tpu.memory_space<vmem>>
        %dma_start3A_22 = tpu.memref_squeeze %dma_start3A_21 : memref<1x128xi32, #tpu.memory_space<vmem>> -> memref<128xi32, #tpu.memory_space<vmem>>
        %dma_start3A_23 = arith.constant 0 : i32
        %dma_start3A_24 = arith.constant 0 : i32
        %dma_start3A_25 = tpu.memref_slice %arg10[%dma_start3A_23, %dma_start3A_24] : memref<10240x128xf32, #tpu.memory_space<vmem_shared>> -> memref<10240x128xf32, #tpu.memory_space<vmem_shared>>
        tpu.enqueue_indirect_dma source(%arg9 : memref<128x128xf32, #tpu.memory_space<vmem>>) target(%dma_start3A_25 : memref<10240x128xf32, #tpu.memory_space<vmem_shared>>) offsets(%dma_start3A_22 : memref<128xi32, #tpu.memory_space<vmem>>) semaphore(%run_scoped3A : memref<!tpu.dma_semaphore, #tpu.memory_space<semaphore_mem>>) {add = true}
        %dma_wait3A_26 = arith.constant 0 : i32
        %dma_wait3A_27 = tpu.memref_slice %arg8[%scan3A_9, %dma_wait3A_26] : memref<79x128xi32, #tpu.memory_space<vmem>> -> memref<1x128xi32, #tpu.memory_space<vmem>>
        %dma_wait3A_28 = tpu.memref_squeeze %dma_wait3A_27 : memref<1x128xi32, #tpu.memory_space<vmem>> -> memref<128xi32, #tpu.memory_space<vmem>>
        %dma_wait3A_29 = arith.constant 0 : i32
        %dma_wait3A_30 = arith.constant 0 : i32
        %dma_wait3A_31 = tpu.memref_slice %arg10[%dma_wait3A_29, %dma_wait3A_30] : memref<10240x128xf32, #tpu.memory_space<vmem_shared>> -> memref<10240x128xf32, #tpu.memory_space<vmem_shared>>
        tpu.wait_indirect_dma semaphore(%run_scoped3A : memref<!tpu.dma_semaphore, #tpu.memory_space<semaphore_mem>>) src(%arg9 : memref<128x128xf32, #tpu.memory_space<vmem>>) dst(%dma_wait3A_31 : memref<10240x128xf32, #tpu.memory_space<vmem_shared>>)
        tpu.yield
      }) : () -> ()
    }
    %scan3A_7 = arith.constant 79 : i32
    %barrier3A_8 = arith.constant 0 : index
    tpu.barrier barrier_id(%barrier3A_8)
    "tpu.region"() ({
      %run_scoped3A = tpu.sem_alloc : memref<!tpu.dma_semaphore, #tpu.memory_space<semaphore_mem>>
      %dma_start3A = arith.constant 0 : i32
      %dma_start3A_9 = arith.constant 0 : i32
      %dma_start3A_10 = tpu.memref_slice %arg6[%arg0, %dma_start3A, %dma_start3A_9] : memref<2x10240x128xf32, #tpu.memory_space<hbm>> -> memref<1x10240x128xf32, #tpu.memory_space<hbm>>
      %dma_start3A_11 = tpu.memref_squeeze %dma_start3A_10 : memref<1x10240x128xf32, #tpu.memory_space<hbm>> -> memref<10240x128xf32, #tpu.memory_space<hbm>>
      %dma_start3A_12 = arith.constant 0 : i32
      %dma_start3A_13 = tpu.memref_slice %dma_start3A_11[%mul3A_2, %dma_start3A_12] : memref<10240x128xf32, #tpu.memory_space<hbm>> -> memref<640x128xf32, #tpu.memory_space<hbm>>
      %dma_start3A_14 = arith.constant 0 : i32
      %dma_start3A_15 = tpu.memref_slice %arg10[%mul3A_2, %dma_start3A_14] : memref<10240x128xf32, #tpu.memory_space<vmem_shared>> -> memref<640x128xf32, #tpu.memory_space<vmem_shared>>
      tpu.enqueue_dma source(%dma_start3A_15 : memref<640x128xf32, #tpu.memory_space<vmem_shared>>) target(%dma_start3A_13 : memref<640x128xf32, #tpu.memory_space<hbm>>) target_semaphore(%run_scoped3A : memref<!tpu.dma_semaphore, #tpu.memory_space<semaphore_mem>>)
      %dma_wait3A = arith.constant 0 : i32
      %dma_wait3A_16 = arith.constant 0 : i32
      %dma_wait3A_17 = tpu.memref_slice %arg6[%arg0, %dma_wait3A, %dma_wait3A_16] : memref<2x10240x128xf32, #tpu.memory_space<hbm>> -> memref<1x10240x128xf32, #tpu.memory_space<hbm>>
      %dma_wait3A_18 = tpu.memref_squeeze %dma_wait3A_17 : memref<1x10240x128xf32, #tpu.memory_space<hbm>> -> memref<10240x128xf32, #tpu.memory_space<hbm>>
      %dma_wait3A_19 = arith.constant 0 : i32
      %dma_wait3A_20 = tpu.memref_slice %dma_wait3A_18[%mul3A_2, %dma_wait3A_19] : memref<10240x128xf32, #tpu.memory_space<hbm>> -> memref<640x128xf32, #tpu.memory_space<hbm>>
      %dma_wait3A_21 = arith.constant 0 : i32
      %dma_wait3A_22 = tpu.memref_slice %arg10[%mul3A_2, %dma_wait3A_21] : memref<10240x128xf32, #tpu.memory_space<vmem_shared>> -> memref<640x128xf32, #tpu.memory_space<vmem_shared>>
      tpu.wait_dma2 semaphore(%run_scoped3A : memref<!tpu.dma_semaphore, #tpu.memory_space<semaphore_mem>>) src(%dma_wait3A_22 : memref<640x128xf32, #tpu.memory_space<vmem_shared>>) dst(%dma_wait3A_20 : memref<640x128xf32, #tpu.memory_space<hbm>>)
      tpu.yield
    }) : () -> ()
    return
  }
}

#map = affine_map<(d0, d1) -> (0, 0)>
#map1 = affine_map<(d0, d1) -> (0, 0, 0)>
module attributes {stable_mosaic.version = 14 : i64} {
  func.func @body(%arg0: i32, %arg1: i32, %arg2: memref<10000x128xf32, #tpu.memory_space<hbm>>, %arg3: memref<32x79x128xi32, #tpu.memory_space<hbm>>, %arg4: memref<32x79x128xi32, #tpu.memory_space<hbm>>, %arg5: memref<640x128xf32, #tpu.memory_space<hbm>>, %arg6: memref<128x128xf32, #tpu.memory_space<hbm>>, %arg7: memref<2x10240x128xf32, #tpu.memory_space<hbm>>, %arg8: memref<2x10240x128xf32, #tpu.memory_space<hbm>>, %arg9: memref<79x128xi32, #tpu.memory_space<vmem>>, %arg10: memref<79x128xi32, #tpu.memory_space<vmem>>, %arg11: memref<128x128xf32, #tpu.memory_space<vmem>>, %arg12: memref<10240x128xf32, #tpu.memory_space<vmem_shared>>, %arg13: memref<!tpu.dma_semaphore, #tpu.memory_space<semaphore_mem>>) attributes {dimension_semantics = [#tpu.dimension_semantics<core_parallel>, #tpu.dimension_semantics<subcore_parallel>], iteration_bounds = array<i64: 2, 16>, scalar_prefetch = 0 : i64, scratch_operands = 5 : i64, tpu.core_type = #tpu.core_type<sc_vector_subcore>, window_params = [{transform_indices = #map}, {transform_indices = #map1}, {transform_indices = #map1}, {transform_indices = #map}, {transform_indices = #map}, {transform_indices = #map1}, {transform_indices = #map1}]} {
    %mul3A = arith.constant 16 : i32
    %mul3A_0 = arith.muli %arg0, %mul3A : i32
    %add3A = arith.addi %mul3A_0, %arg1 : i32
    %mul3A_1 = arith.constant 640 : i32
    %mul3A_2 = arith.muli %arg1, %mul3A_1 : i32
    "tpu.region"() ({
      %run_scoped3A = tpu.sem_alloc : memref<!tpu.dma_semaphore, #tpu.memory_space<semaphore_mem>>
      %dma_start3A = arith.constant 0 : i32
      %dma_start3A_17 = arith.constant 0 : i32
      %dma_start3A_18 = tpu.memref_slice %arg3[%add3A, %dma_start3A, %dma_start3A_17] : memref<32x79x128xi32, #tpu.memory_space<hbm>> -> memref<1x79x128xi32, #tpu.memory_space<hbm>>
      %dma_start3A_19 = tpu.memref_squeeze %dma_start3A_18 : memref<1x79x128xi32, #tpu.memory_space<hbm>> -> memref<79x128xi32, #tpu.memory_space<hbm>>
      %dma_start3A_20 = arith.constant 0 : i32
      %dma_start3A_21 = arith.constant 0 : i32
      %dma_start3A_22 = tpu.memref_slice %arg3[%add3A, %dma_start3A_20, %dma_start3A_21] : memref<32x79x128xi32, #tpu.memory_space<hbm>> -> memref<1x79x128xi32, #tpu.memory_space<hbm>>
      %dma_start3A_23 = tpu.memref_squeeze %dma_start3A_22 : memref<1x79x128xi32, #tpu.memory_space<hbm>> -> memref<79x128xi32, #tpu.memory_space<hbm>>
      tpu.enqueue_dma source(%dma_start3A_23 : memref<79x128xi32, #tpu.memory_space<hbm>>) target(%arg9 : memref<79x128xi32, #tpu.memory_space<vmem>>) target_semaphore(%run_scoped3A : memref<!tpu.dma_semaphore, #tpu.memory_space<semaphore_mem>>)
      %dma_wait3A = arith.constant 0 : i32
      %dma_wait3A_24 = arith.constant 0 : i32
      %dma_wait3A_25 = tpu.memref_slice %arg3[%add3A, %dma_wait3A, %dma_wait3A_24] : memref<32x79x128xi32, #tpu.memory_space<hbm>> -> memref<1x79x128xi32, #tpu.memory_space<hbm>>
      %dma_wait3A_26 = tpu.memref_squeeze %dma_wait3A_25 : memref<1x79x128xi32, #tpu.memory_space<hbm>> -> memref<79x128xi32, #tpu.memory_space<hbm>>
      %dma_wait3A_27 = arith.constant 0 : i32
      %dma_wait3A_28 = arith.constant 0 : i32
      %dma_wait3A_29 = tpu.memref_slice %arg3[%add3A, %dma_wait3A_27, %dma_wait3A_28] : memref<32x79x128xi32, #tpu.memory_space<hbm>> -> memref<1x79x128xi32, #tpu.memory_space<hbm>>
      %dma_wait3A_30 = tpu.memref_squeeze %dma_wait3A_29 : memref<1x79x128xi32, #tpu.memory_space<hbm>> -> memref<79x128xi32, #tpu.memory_space<hbm>>
      tpu.wait_dma2 semaphore(%run_scoped3A : memref<!tpu.dma_semaphore, #tpu.memory_space<semaphore_mem>>) src(%dma_wait3A_30 : memref<79x128xi32, #tpu.memory_space<hbm>>) dst(%arg9 : memref<79x128xi32, #tpu.memory_space<vmem>>)
      tpu.yield
    }) : () -> ()
    "tpu.region"() ({
      %run_scoped3A = tpu.sem_alloc : memref<!tpu.dma_semaphore, #tpu.memory_space<semaphore_mem>>
      %dma_start3A = arith.constant 0 : i32
      %dma_start3A_17 = arith.constant 0 : i32
      %dma_start3A_18 = tpu.memref_slice %arg4[%add3A, %dma_start3A, %dma_start3A_17] : memref<32x79x128xi32, #tpu.memory_space<hbm>> -> memref<1x79x128xi32, #tpu.memory_space<hbm>>
      %dma_start3A_19 = tpu.memref_squeeze %dma_start3A_18 : memref<1x79x128xi32, #tpu.memory_space<hbm>> -> memref<79x128xi32, #tpu.memory_space<hbm>>
      %dma_start3A_20 = arith.constant 0 : i32
      %dma_start3A_21 = arith.constant 0 : i32
      %dma_start3A_22 = tpu.memref_slice %arg4[%add3A, %dma_start3A_20, %dma_start3A_21] : memref<32x79x128xi32, #tpu.memory_space<hbm>> -> memref<1x79x128xi32, #tpu.memory_space<hbm>>
      %dma_start3A_23 = tpu.memref_squeeze %dma_start3A_22 : memref<1x79x128xi32, #tpu.memory_space<hbm>> -> memref<79x128xi32, #tpu.memory_space<hbm>>
      tpu.enqueue_dma source(%dma_start3A_23 : memref<79x128xi32, #tpu.memory_space<hbm>>) target(%arg10 : memref<79x128xi32, #tpu.memory_space<vmem>>) target_semaphore(%run_scoped3A : memref<!tpu.dma_semaphore, #tpu.memory_space<semaphore_mem>>)
      %dma_wait3A = arith.constant 0 : i32
      %dma_wait3A_24 = arith.constant 0 : i32
      %dma_wait3A_25 = tpu.memref_slice %arg4[%add3A, %dma_wait3A, %dma_wait3A_24] : memref<32x79x128xi32, #tpu.memory_space<hbm>> -> memref<1x79x128xi32, #tpu.memory_space<hbm>>
      %dma_wait3A_26 = tpu.memref_squeeze %dma_wait3A_25 : memref<1x79x128xi32, #tpu.memory_space<hbm>> -> memref<79x128xi32, #tpu.memory_space<hbm>>
      %dma_wait3A_27 = arith.constant 0 : i32
      %dma_wait3A_28 = arith.constant 0 : i32
      %dma_wait3A_29 = tpu.memref_slice %arg4[%add3A, %dma_wait3A_27, %dma_wait3A_28] : memref<32x79x128xi32, #tpu.memory_space<hbm>> -> memref<1x79x128xi32, #tpu.memory_space<hbm>>
      %dma_wait3A_30 = tpu.memref_squeeze %dma_wait3A_29 : memref<1x79x128xi32, #tpu.memory_space<hbm>> -> memref<79x128xi32, #tpu.memory_space<hbm>>
      tpu.wait_dma2 semaphore(%run_scoped3A : memref<!tpu.dma_semaphore, #tpu.memory_space<semaphore_mem>>) src(%dma_wait3A_30 : memref<79x128xi32, #tpu.memory_space<hbm>>) dst(%arg10 : memref<79x128xi32, #tpu.memory_space<vmem>>)
      tpu.yield
    }) : () -> ()
    "tpu.region"() ({
      %run_scoped3A = tpu.sem_alloc : memref<!tpu.dma_semaphore, #tpu.memory_space<semaphore_mem>>
      %dma_start3A = arith.constant 0 : i32
      %dma_start3A_17 = tpu.memref_slice %arg12[%mul3A_2, %dma_start3A] : memref<10240x128xf32, #tpu.memory_space<vmem_shared>> -> memref<640x128xf32, #tpu.memory_space<vmem_shared>>
      tpu.enqueue_dma source(%arg5 : memref<640x128xf32, #tpu.memory_space<hbm>>) target(%dma_start3A_17 : memref<640x128xf32, #tpu.memory_space<vmem_shared>>) target_semaphore(%run_scoped3A : memref<!tpu.dma_semaphore, #tpu.memory_space<semaphore_mem>>)
      %dma_wait3A = arith.constant 0 : i32
      %dma_wait3A_18 = tpu.memref_slice %arg12[%mul3A_2, %dma_wait3A] : memref<10240x128xf32, #tpu.memory_space<vmem_shared>> -> memref<640x128xf32, #tpu.memory_space<vmem_shared>>
      tpu.wait_dma2 semaphore(%run_scoped3A : memref<!tpu.dma_semaphore, #tpu.memory_space<semaphore_mem>>) src(%arg5 : memref<640x128xf32, #tpu.memory_space<hbm>>) dst(%dma_wait3A_18 : memref<640x128xf32, #tpu.memory_space<vmem_shared>>)
      tpu.yield
    }) : () -> ()
    %barrier3A = arith.constant 0 : index
    tpu.barrier barrier_id(%barrier3A)
    %scan3A = arith.constant 0 : i32
    %scan3A_3 = arith.constant 0 : i32
    %scan3A_4 = arith.constant 79 : i32
    %scan3A_5 = arith.addi %scan3A_3, %scan3A_4 : i32
    %scan3A_6 = arith.constant 1 : i32
    scf.for %scan3A_17 = %scan3A_3 to %scan3A_5 step %scan3A_6  : i32 {
      %dma_start3A = arith.constant 0 : i32
      %dma_start3A_18 = tpu.memref_slice %arg9[%scan3A_17, %dma_start3A] : memref<79x128xi32, #tpu.memory_space<vmem>> -> memref<1x128xi32, #tpu.memory_space<vmem>>
      %dma_start3A_19 = tpu.memref_squeeze %dma_start3A_18 : memref<1x128xi32, #tpu.memory_space<vmem>> -> memref<128xi32, #tpu.memory_space<vmem>>
      %dma_start3A_20 = arith.constant 0 : i32
      %dma_start3A_21 = arith.constant 0 : i32
      %dma_start3A_22 = tpu.memref_slice %arg2[%dma_start3A_20, %dma_start3A_21] : memref<10000x128xf32, #tpu.memory_space<hbm>> -> memref<10000x128xf32, #tpu.memory_space<hbm>>
      tpu.enqueue_indirect_dma source(%dma_start3A_22 : memref<10000x128xf32, #tpu.memory_space<hbm>>) target(%arg11 : memref<128x128xf32, #tpu.memory_space<vmem>>) offsets(%dma_start3A_19 : memref<128xi32, #tpu.memory_space<vmem>>) semaphore(%arg13 : memref<!tpu.dma_semaphore, #tpu.memory_space<semaphore_mem>>)
      %dma_wait3A = arith.constant 0 : i32
      %dma_wait3A_23 = tpu.memref_slice %arg9[%scan3A_17, %dma_wait3A] : memref<79x128xi32, #tpu.memory_space<vmem>> -> memref<1x128xi32, #tpu.memory_space<vmem>>
      %dma_wait3A_24 = tpu.memref_squeeze %dma_wait3A_23 : memref<1x128xi32, #tpu.memory_space<vmem>> -> memref<128xi32, #tpu.memory_space<vmem>>
      %dma_wait3A_25 = arith.constant 0 : i32
      %dma_wait3A_26 = arith.constant 0 : i32
      %dma_wait3A_27 = tpu.memref_slice %arg2[%dma_wait3A_25, %dma_wait3A_26] : memref<10000x128xf32, #tpu.memory_space<hbm>> -> memref<10000x128xf32, #tpu.memory_space<hbm>>
      tpu.wait_indirect_dma semaphore(%arg13 : memref<!tpu.dma_semaphore, #tpu.memory_space<semaphore_mem>>) src(%dma_wait3A_27 : memref<10000x128xf32, #tpu.memory_space<hbm>>) dst(%arg11 : memref<128x128xf32, #tpu.memory_space<vmem>>)
      "tpu.region"() ({
        %run_scoped3A = tpu.sem_alloc : memref<!tpu.dma_semaphore, #tpu.memory_space<semaphore_mem>>
        %dma_start3A_28 = arith.constant 0 : i32
        %dma_start3A_29 = tpu.memref_slice %arg10[%scan3A_17, %dma_start3A_28] : memref<79x128xi32, #tpu.memory_space<vmem>> -> memref<1x128xi32, #tpu.memory_space<vmem>>
        %dma_start3A_30 = tpu.memref_squeeze %dma_start3A_29 : memref<1x128xi32, #tpu.memory_space<vmem>> -> memref<128xi32, #tpu.memory_space<vmem>>
        %dma_start3A_31 = arith.constant 0 : i32
        %dma_start3A_32 = arith.constant 0 : i32
        %dma_start3A_33 = tpu.memref_slice %arg12[%dma_start3A_31, %dma_start3A_32] : memref<10240x128xf32, #tpu.memory_space<vmem_shared>> -> memref<10240x128xf32, #tpu.memory_space<vmem_shared>>
        tpu.enqueue_indirect_dma source(%arg11 : memref<128x128xf32, #tpu.memory_space<vmem>>) target(%dma_start3A_33 : memref<10240x128xf32, #tpu.memory_space<vmem_shared>>) offsets(%dma_start3A_30 : memref<128xi32, #tpu.memory_space<vmem>>) semaphore(%run_scoped3A : memref<!tpu.dma_semaphore, #tpu.memory_space<semaphore_mem>>) {add = true}
        %dma_wait3A_34 = arith.constant 0 : i32
        %dma_wait3A_35 = tpu.memref_slice %arg10[%scan3A_17, %dma_wait3A_34] : memref<79x128xi32, #tpu.memory_space<vmem>> -> memref<1x128xi32, #tpu.memory_space<vmem>>
        %dma_wait3A_36 = tpu.memref_squeeze %dma_wait3A_35 : memref<1x128xi32, #tpu.memory_space<vmem>> -> memref<128xi32, #tpu.memory_space<vmem>>
        %dma_wait3A_37 = arith.constant 0 : i32
        %dma_wait3A_38 = arith.constant 0 : i32
        %dma_wait3A_39 = tpu.memref_slice %arg12[%dma_wait3A_37, %dma_wait3A_38] : memref<10240x128xf32, #tpu.memory_space<vmem_shared>> -> memref<10240x128xf32, #tpu.memory_space<vmem_shared>>
        tpu.wait_indirect_dma semaphore(%run_scoped3A : memref<!tpu.dma_semaphore, #tpu.memory_space<semaphore_mem>>) src(%arg11 : memref<128x128xf32, #tpu.memory_space<vmem>>) dst(%dma_wait3A_39 : memref<10240x128xf32, #tpu.memory_space<vmem_shared>>)
        tpu.yield
      }) : () -> ()
    }
    %scan3A_7 = arith.constant 79 : i32
    %barrier3A_8 = arith.constant 0 : index
    tpu.barrier barrier_id(%barrier3A_8)
    "tpu.region"() ({
      %run_scoped3A = tpu.sem_alloc : memref<!tpu.dma_semaphore, #tpu.memory_space<semaphore_mem>>
      %dma_start3A = arith.constant 0 : i32
      %dma_start3A_17 = arith.constant 0 : i32
      %dma_start3A_18 = tpu.memref_slice %arg7[%arg0, %dma_start3A, %dma_start3A_17] : memref<2x10240x128xf32, #tpu.memory_space<hbm>> -> memref<1x10240x128xf32, #tpu.memory_space<hbm>>
      %dma_start3A_19 = tpu.memref_squeeze %dma_start3A_18 : memref<1x10240x128xf32, #tpu.memory_space<hbm>> -> memref<10240x128xf32, #tpu.memory_space<hbm>>
      %dma_start3A_20 = arith.constant 0 : i32
      %dma_start3A_21 = tpu.memref_slice %dma_start3A_19[%mul3A_2, %dma_start3A_20] : memref<10240x128xf32, #tpu.memory_space<hbm>> -> memref<640x128xf32, #tpu.memory_space<hbm>>
      %dma_start3A_22 = arith.constant 0 : i32
      %dma_start3A_23 = tpu.memref_slice %arg12[%mul3A_2, %dma_start3A_22] : memref<10240x128xf32, #tpu.memory_space<vmem_shared>> -> memref<640x128xf32, #tpu.memory_space<vmem_shared>>
      tpu.enqueue_dma source(%dma_start3A_23 : memref<640x128xf32, #tpu.memory_space<vmem_shared>>) target(%dma_start3A_21 : memref<640x128xf32, #tpu.memory_space<hbm>>) target_semaphore(%run_scoped3A : memref<!tpu.dma_semaphore, #tpu.memory_space<semaphore_mem>>)
      %dma_wait3A = arith.constant 0 : i32
      %dma_wait3A_24 = arith.constant 0 : i32
      %dma_wait3A_25 = tpu.memref_slice %arg7[%arg0, %dma_wait3A, %dma_wait3A_24] : memref<2x10240x128xf32, #tpu.memory_space<hbm>> -> memref<1x10240x128xf32, #tpu.memory_space<hbm>>
      %dma_wait3A_26 = tpu.memref_squeeze %dma_wait3A_25 : memref<1x10240x128xf32, #tpu.memory_space<hbm>> -> memref<10240x128xf32, #tpu.memory_space<hbm>>
      %dma_wait3A_27 = arith.constant 0 : i32
      %dma_wait3A_28 = tpu.memref_slice %dma_wait3A_26[%mul3A_2, %dma_wait3A_27] : memref<10240x128xf32, #tpu.memory_space<hbm>> -> memref<640x128xf32, #tpu.memory_space<hbm>>
      %dma_wait3A_29 = arith.constant 0 : i32
      %dma_wait3A_30 = tpu.memref_slice %arg12[%mul3A_2, %dma_wait3A_29] : memref<10240x128xf32, #tpu.memory_space<vmem_shared>> -> memref<640x128xf32, #tpu.memory_space<vmem_shared>>
      tpu.wait_dma2 semaphore(%run_scoped3A : memref<!tpu.dma_semaphore, #tpu.memory_space<semaphore_mem>>) src(%dma_wait3A_30 : memref<640x128xf32, #tpu.memory_space<vmem_shared>>) dst(%dma_wait3A_28 : memref<640x128xf32, #tpu.memory_space<hbm>>)
      tpu.yield
    }) : () -> ()
    "tpu.region"() ({
      %run_scoped3A = tpu.sem_alloc : memref<!tpu.dma_semaphore, #tpu.memory_space<semaphore_mem>>
      %dma_start3A = arith.constant 0 : i32
      %dma_start3A_17 = tpu.memref_slice %arg12[%mul3A_2, %dma_start3A] : memref<10240x128xf32, #tpu.memory_space<vmem_shared>> -> memref<640x128xf32, #tpu.memory_space<vmem_shared>>
      tpu.enqueue_dma source(%arg5 : memref<640x128xf32, #tpu.memory_space<hbm>>) target(%dma_start3A_17 : memref<640x128xf32, #tpu.memory_space<vmem_shared>>) target_semaphore(%run_scoped3A : memref<!tpu.dma_semaphore, #tpu.memory_space<semaphore_mem>>)
      %dma_wait3A = arith.constant 0 : i32
      %dma_wait3A_18 = tpu.memref_slice %arg12[%mul3A_2, %dma_wait3A] : memref<10240x128xf32, #tpu.memory_space<vmem_shared>> -> memref<640x128xf32, #tpu.memory_space<vmem_shared>>
      tpu.wait_dma2 semaphore(%run_scoped3A : memref<!tpu.dma_semaphore, #tpu.memory_space<semaphore_mem>>) src(%arg5 : memref<640x128xf32, #tpu.memory_space<hbm>>) dst(%dma_wait3A_18 : memref<640x128xf32, #tpu.memory_space<vmem_shared>>)
      tpu.yield
    }) : () -> ()
    "tpu.region"() ({
      %run_scoped3A = tpu.sem_alloc : memref<!tpu.dma_semaphore, #tpu.memory_space<semaphore_mem>>
      tpu.enqueue_dma source(%arg6 : memref<128x128xf32, #tpu.memory_space<hbm>>) target(%arg11 : memref<128x128xf32, #tpu.memory_space<vmem>>) target_semaphore(%run_scoped3A : memref<!tpu.dma_semaphore, #tpu.memory_space<semaphore_mem>>)
      tpu.wait_dma2 semaphore(%run_scoped3A : memref<!tpu.dma_semaphore, #tpu.memory_space<semaphore_mem>>) src(%arg6 : memref<128x128xf32, #tpu.memory_space<hbm>>) dst(%arg11 : memref<128x128xf32, #tpu.memory_space<vmem>>)
      tpu.yield
    }) : () -> ()
    %barrier3A_9 = arith.constant 0 : index
    tpu.barrier barrier_id(%barrier3A_9)
    %scan3A_10 = arith.constant 0 : i32
    %scan3A_11 = arith.constant 0 : i32
    %scan3A_12 = arith.constant 79 : i32
    %scan3A_13 = arith.addi %scan3A_11, %scan3A_12 : i32
    %scan3A_14 = arith.constant 1 : i32
    scf.for %scan3A_17 = %scan3A_11 to %scan3A_13 step %scan3A_14  : i32 {
      "tpu.region"() ({
        %run_scoped3A = tpu.sem_alloc : memref<!tpu.dma_semaphore, #tpu.memory_space<semaphore_mem>>
        %dma_start3A = arith.constant 0 : i32
        %dma_start3A_18 = tpu.memref_slice %arg10[%scan3A_17, %dma_start3A] : memref<79x128xi32, #tpu.memory_space<vmem>> -> memref<1x128xi32, #tpu.memory_space<vmem>>
        %dma_start3A_19 = tpu.memref_squeeze %dma_start3A_18 : memref<1x128xi32, #tpu.memory_space<vmem>> -> memref<128xi32, #tpu.memory_space<vmem>>
        %dma_start3A_20 = arith.constant 0 : i32
        %dma_start3A_21 = arith.constant 0 : i32
        %dma_start3A_22 = tpu.memref_slice %arg12[%dma_start3A_20, %dma_start3A_21] : memref<10240x128xf32, #tpu.memory_space<vmem_shared>> -> memref<10240x128xf32, #tpu.memory_space<vmem_shared>>
        tpu.enqueue_indirect_dma source(%arg11 : memref<128x128xf32, #tpu.memory_space<vmem>>) target(%dma_start3A_22 : memref<10240x128xf32, #tpu.memory_space<vmem_shared>>) offsets(%dma_start3A_19 : memref<128xi32, #tpu.memory_space<vmem>>) semaphore(%run_scoped3A : memref<!tpu.dma_semaphore, #tpu.memory_space<semaphore_mem>>) {add = true}
        %dma_wait3A = arith.constant 0 : i32
        %dma_wait3A_23 = tpu.memref_slice %arg10[%scan3A_17, %dma_wait3A] : memref<79x128xi32, #tpu.memory_space<vmem>> -> memref<1x128xi32, #tpu.memory_space<vmem>>
        %dma_wait3A_24 = tpu.memref_squeeze %dma_wait3A_23 : memref<1x128xi32, #tpu.memory_space<vmem>> -> memref<128xi32, #tpu.memory_space<vmem>>
        %dma_wait3A_25 = arith.constant 0 : i32
        %dma_wait3A_26 = arith.constant 0 : i32
        %dma_wait3A_27 = tpu.memref_slice %arg12[%dma_wait3A_25, %dma_wait3A_26] : memref<10240x128xf32, #tpu.memory_space<vmem_shared>> -> memref<10240x128xf32, #tpu.memory_space<vmem_shared>>
        tpu.wait_indirect_dma semaphore(%run_scoped3A : memref<!tpu.dma_semaphore, #tpu.memory_space<semaphore_mem>>) src(%arg11 : memref<128x128xf32, #tpu.memory_space<vmem>>) dst(%dma_wait3A_27 : memref<10240x128xf32, #tpu.memory_space<vmem_shared>>)
        tpu.yield
      }) : () -> ()
    }
    %scan3A_15 = arith.constant 79 : i32
    %barrier3A_16 = arith.constant 0 : index
    tpu.barrier barrier_id(%barrier3A_16)
    "tpu.region"() ({
      %run_scoped3A = tpu.sem_alloc : memref<!tpu.dma_semaphore, #tpu.memory_space<semaphore_mem>>
      %dma_start3A = arith.constant 0 : i32
      %dma_start3A_17 = arith.constant 0 : i32
      %dma_start3A_18 = tpu.memref_slice %arg8[%arg0, %dma_start3A, %dma_start3A_17] : memref<2x10240x128xf32, #tpu.memory_space<hbm>> -> memref<1x10240x128xf32, #tpu.memory_space<hbm>>
      %dma_start3A_19 = tpu.memref_squeeze %dma_start3A_18 : memref<1x10240x128xf32, #tpu.memory_space<hbm>> -> memref<10240x128xf32, #tpu.memory_space<hbm>>
      %dma_start3A_20 = arith.constant 0 : i32
      %dma_start3A_21 = tpu.memref_slice %dma_start3A_19[%mul3A_2, %dma_start3A_20] : memref<10240x128xf32, #tpu.memory_space<hbm>> -> memref<640x128xf32, #tpu.memory_space<hbm>>
      %dma_start3A_22 = arith.constant 0 : i32
      %dma_start3A_23 = tpu.memref_slice %arg12[%mul3A_2, %dma_start3A_22] : memref<10240x128xf32, #tpu.memory_space<vmem_shared>> -> memref<640x128xf32, #tpu.memory_space<vmem_shared>>
      tpu.enqueue_dma source(%dma_start3A_23 : memref<640x128xf32, #tpu.memory_space<vmem_shared>>) target(%dma_start3A_21 : memref<640x128xf32, #tpu.memory_space<hbm>>) target_semaphore(%run_scoped3A : memref<!tpu.dma_semaphore, #tpu.memory_space<semaphore_mem>>)
      %dma_wait3A = arith.constant 0 : i32
      %dma_wait3A_24 = arith.constant 0 : i32
      %dma_wait3A_25 = tpu.memref_slice %arg8[%arg0, %dma_wait3A, %dma_wait3A_24] : memref<2x10240x128xf32, #tpu.memory_space<hbm>> -> memref<1x10240x128xf32, #tpu.memory_space<hbm>>
      %dma_wait3A_26 = tpu.memref_squeeze %dma_wait3A_25 : memref<1x10240x128xf32, #tpu.memory_space<hbm>> -> memref<10240x128xf32, #tpu.memory_space<hbm>>
      %dma_wait3A_27 = arith.constant 0 : i32
      %dma_wait3A_28 = tpu.memref_slice %dma_wait3A_26[%mul3A_2, %dma_wait3A_27] : memref<10240x128xf32, #tpu.memory_space<hbm>> -> memref<640x128xf32, #tpu.memory_space<hbm>>
      %dma_wait3A_29 = arith.constant 0 : i32
      %dma_wait3A_30 = tpu.memref_slice %arg12[%mul3A_2, %dma_wait3A_29] : memref<10240x128xf32, #tpu.memory_space<vmem_shared>> -> memref<640x128xf32, #tpu.memory_space<vmem_shared>>
      tpu.wait_dma2 semaphore(%run_scoped3A : memref<!tpu.dma_semaphore, #tpu.memory_space<semaphore_mem>>) src(%dma_wait3A_30 : memref<640x128xf32, #tpu.memory_space<vmem_shared>>) dst(%dma_wait3A_28 : memref<640x128xf32, #tpu.memory_space<hbm>>)
      tpu.yield
    }) : () -> ()
    return
  }
}

module attributes {stable_mosaic.version = 14 : i64} {
  func.func @_tc_xw(%arg0: i32, %arg1: memref<1000x128xf32, #tpu.memory_space<vmem>>, %arg2: memref<128x128xf32, #tpu.memory_space<vmem>>, %arg3: memref<1000x128xf32, #tpu.memory_space<vmem>>) attributes {dimension_semantics = [#tpu.dimension_semantics<arbitrary>], iteration_bounds = array<i64: 10>, scalar_prefetch = 0 : i64, scratch_operands = 0 : i64, tpu.core_type = #tpu.core_type<tc>, window_params = [{transform_indices = @transform_0, window_bounds = array<i64: 1000, 128>}, {pipeline_mode = #tpu.pipeline_mode<synchronous>, transform_indices = @transform_1, window_bounds = array<i64: 128, 128>}, {transform_indices = @transform_2, window_bounds = array<i64: 1000, 128>}]} {
    %get3A = arith.constant 0 : index
    %get3A_0 = arith.constant 0 : index
    %get3A_1 = vector.load %arg1[%get3A, %get3A_0] : memref<1000x128xf32, #tpu.memory_space<vmem>>, vector<1000x128xf32>
    %get3A_2 = arith.constant 0 : index
    %get3A_3 = arith.constant 0 : index
    %get3A_4 = vector.load %arg2[%get3A_2, %get3A_3] : memref<128x128xf32, #tpu.memory_space<vmem>>, vector<128x128xf32>
    %dot_general3A = arith.constant dense<0.000000e+00> : vector<1000x128xf32>
    %dot_general3A_5 = tpu.matmul %get3A_1, %get3A_4, %dot_general3A {dimension_numbers = #tpu.dot_dimension_numbers<[1], [0], [0], [1], [0, 0, 1, 1], [], []>, transpose_lhs_hint = false} : vector<1000x128xf32>, vector<128x128xf32>, vector<1000x128xf32> -> vector<1000x128xf32>
    %swap3A = arith.constant 0 : index
    %swap3A_6 = arith.constant 0 : index
    %swap3A_7 = vector.load %arg3[%swap3A, %swap3A_6] : memref<1000x128xf32, #tpu.memory_space<vmem>>, vector<1000x128xf32>
    tpu.vector_store %arg3[%swap3A, %swap3A_6], %dot_general3A_5 {strides = array<i32>} : memref<1000x128xf32, #tpu.memory_space<vmem>>, vector<1000x128xf32>,
    return
  }
  func.func @transform_0(%arg0: i32) -> (i32, i32) {
    %c0_i32 = arith.constant 0 : i32
    %c0_i32_0 = arith.constant 0 : i32
    return %arg0, %c0_i32 : i32, i32
  }
  func.func @transform_1(%arg0: i32) -> (i32, i32) {
    %c0_i32 = arith.constant 0 : i32
    %c0_i32_0 = arith.constant 0 : i32
    %c0_i32_1 = arith.constant 0 : i32
    return %c0_i32, %c0_i32_0 : i32, i32
  }
  func.func @transform_2(%arg0: i32) -> (i32, i32) {
    %c0_i32 = arith.constant 0 : i32
    %c0_i32_0 = arith.constant 0 : i32
    return %arg0, %c0_i32 : i32, i32
  }
}

module attributes {stable_mosaic.version = 14 : i64} {
  func.func @_tc_layer1(%arg0: i32, %arg1: memref<1000x128xf32, #tpu.memory_space<vmem>>, %arg2: memref<1000x128xf32, #tpu.memory_space<vmem>>, %arg3: memref<1000x128xf32, #tpu.memory_space<vmem>>, %arg4: memref<1000x128xf32, #tpu.memory_space<vmem>>, %arg5: memref<1000x128xf32, #tpu.memory_space<vmem>>, %arg6: memref<128x128xf32, #tpu.memory_space<vmem>>, %arg7: memref<128xf32, #tpu.memory_space<vmem>>, %arg8: memref<1000x128xf32, #tpu.memory_space<vmem>>) attributes {dimension_semantics = [#tpu.dimension_semantics<arbitrary>], iteration_bounds = array<i64: 10>, scalar_prefetch = 0 : i64, scratch_operands = 0 : i64, tpu.core_type = #tpu.core_type<tc>, window_params = [{transform_indices = @transform_0, window_bounds = array<i64: 1000, 128>}, {transform_indices = @transform_1, window_bounds = array<i64: 1000, 128>}, {transform_indices = @transform_2, window_bounds = array<i64: 1000, 128>}, {transform_indices = @transform_3, window_bounds = array<i64: 1000, 128>}, {transform_indices = @transform_4, window_bounds = array<i64: 1000, 128>}, {pipeline_mode = #tpu.pipeline_mode<synchronous>, transform_indices = @transform_5, window_bounds = array<i64: 128, 128>}, {pipeline_mode = #tpu.pipeline_mode<synchronous>, transform_indices = @transform_6, window_bounds = array<i64: 128>}, {transform_indices = @transform_7, window_bounds = array<i64: 1000, 128>}]} {
    %get3A = arith.constant 0 : index
    %get3A_0 = arith.constant 0 : index
    %get3A_1 = vector.load %arg4[%get3A, %get3A_0] : memref<1000x128xf32, #tpu.memory_space<vmem>>, vector<1000x1xf32>
    %get3A_2 = arith.constant 0 : index
    %get3A_3 = arith.constant 0 : index
    %get3A_4 = vector.load %arg5[%get3A_2, %get3A_3] : memref<1000x128xf32, #tpu.memory_space<vmem>>, vector<1000x1xf32>
    %add3A = arith.addf %get3A_1, %get3A_4 : vector<1000x1xf32>
    %max3A = arith.constant 1.000000e+00 : f32
    %max3A_5 = vector.broadcast %max3A : f32 to vector<1000x1xf32>
    %max3A_6 = arith.maximumf %add3A, %max3A_5 : vector<1000x1xf32>
    %div3A = arith.constant 1.000000e+00 : f32
    %div3A_7 = vector.broadcast %div3A : f32 to vector<1000x1xf32>
    %div3A_8 = arith.divf %div3A_7, %max3A_6 : vector<1000x1xf32>
    %get3A_9 = arith.constant 0 : index
    %get3A_10 = arith.constant 0 : index
    %get3A_11 = vector.load %arg2[%get3A_9, %get3A_10] : memref<1000x128xf32, #tpu.memory_space<vmem>>, vector<1000x128xf32>
    %get3A_12 = arith.constant 0 : index
    %get3A_13 = arith.constant 0 : index
    %get3A_14 = vector.load %arg3[%get3A_12, %get3A_13] : memref<1000x128xf32, #tpu.memory_space<vmem>>, vector<1000x128xf32>
    %add3A_15 = arith.addf %get3A_11, %get3A_14 : vector<1000x128xf32>
    %mul3A = vector.broadcast %div3A_8 : vector<1000x1xf32> to vector<1000x128xf32>
    %mul3A_16 = arith.mulf %add3A_15, %mul3A : vector<1000x128xf32>
    %get3A_17 = arith.constant 0 : index
    %get3A_18 = arith.constant 0 : index
    %get3A_19 = vector.load %arg6[%get3A_17, %get3A_18] : memref<128x128xf32, #tpu.memory_space<vmem>>, vector<128x128xf32>
    %dot_general3A = arith.constant dense<0.000000e+00> : vector<1000x128xf32>
    %dot_general3A_20 = tpu.matmul %mul3A_16, %get3A_19, %dot_general3A {dimension_numbers = #tpu.dot_dimension_numbers<[1], [0], [0], [1], [0, 0, 1, 1], [], []>, transpose_lhs_hint = false} : vector<1000x128xf32>, vector<128x128xf32>, vector<1000x128xf32> -> vector<1000x128xf32>
    %get3A_21 = arith.constant 0 : index
    %get3A_22 = vector.load %arg7[%get3A_21] : memref<128xf32, #tpu.memory_space<vmem>>, vector<128xf32>
    %broadcast_in_dim3A = vector.shape_cast %get3A_22 : vector<128xf32> to vector<1x128xf32>
    %add3A_23 = vector.broadcast %broadcast_in_dim3A : vector<1x128xf32> to vector<1000x128xf32>
    %add3A_24 = arith.addf %dot_general3A_20, %add3A_23 : vector<1000x128xf32>
    %get3A_25 = arith.constant 0 : index
    %get3A_26 = arith.constant 0 : index
    %get3A_27 = vector.load %arg1[%get3A_25, %get3A_26] : memref<1000x128xf32, #tpu.memory_space<vmem>>, vector<1000x128xf32>
    %add3A_28 = arith.addf %add3A_24, %get3A_27 : vector<1000x128xf32>
    %max3A_29 = arith.constant 0.000000e+00 : f32
    %max3A_30 = vector.broadcast %max3A_29 : f32 to vector<1000x128xf32>
    %max3A_31 = arith.maximumf %add3A_28, %max3A_30 : vector<1000x128xf32>
    %swap3A = arith.constant 0 : index
    %swap3A_32 = arith.constant 0 : index
    %swap3A_33 = vector.load %arg8[%swap3A, %swap3A_32] : memref<1000x128xf32, #tpu.memory_space<vmem>>, vector<1000x128xf32>
    tpu.vector_store %arg8[%swap3A, %swap3A_32], %max3A_31 {strides = array<i32>} : memref<1000x128xf32, #tpu.memory_space<vmem>>, vector<1000x128xf32>,
    return
  }
  func.func @transform_0(%arg0: i32) -> (i32, i32) {
    %c0_i32 = arith.constant 0 : i32
    %c0_i32_0 = arith.constant 0 : i32
    return %arg0, %c0_i32 : i32, i32
  }
  func.func @transform_1(%arg0: i32) -> (i32, i32) {
    %c0_i32 = arith.constant 0 : i32
    %c0_i32_0 = arith.constant 0 : i32
    return %arg0, %c0_i32 : i32, i32
  }
  func.func @transform_2(%arg0: i32) -> (i32, i32) {
    %c0_i32 = arith.constant 0 : i32
    %c0_i32_0 = arith.constant 0 : i32
    return %arg0, %c0_i32 : i32, i32
  }
  func.func @transform_3(%arg0: i32) -> (i32, i32) {
    %c0_i32 = arith.constant 0 : i32
    %c0_i32_0 = arith.constant 0 : i32
    return %arg0, %c0_i32 : i32, i32
  }
  func.func @transform_4(%arg0: i32) -> (i32, i32) {
    %c0_i32 = arith.constant 0 : i32
    %c0_i32_0 = arith.constant 0 : i32
    return %arg0, %c0_i32 : i32, i32
  }
  func.func @transform_5(%arg0: i32) -> (i32, i32) {
    %c0_i32 = arith.constant 0 : i32
    %c0_i32_0 = arith.constant 0 : i32
    %c0_i32_1 = arith.constant 0 : i32
    return %c0_i32, %c0_i32_0 : i32, i32
  }
  func.func @transform_6(%arg0: i32) -> i32 {
    %c0_i32 = arith.constant 0 : i32
    %c0_i32_0 = arith.constant 0 : i32
    return %c0_i32 : i32
  }
  func.func @transform_7(%arg0: i32) -> (i32, i32) {
    %c0_i32 = arith.constant 0 : i32
    %c0_i32_0 = arith.constant 0 : i32
    return %arg0, %c0_i32 : i32, i32
  }
}

module attributes {stable_mosaic.version = 14 : i64} {
  func.func @_tc_hw(%arg0: i32, %arg1: memref<1000x128xf32, #tpu.memory_space<vmem>>, %arg2: memref<128x128xf32, #tpu.memory_space<vmem>>, %arg3: memref<128x128xf32, #tpu.memory_space<vmem>>, %arg4: memref<1000x128xf32, #tpu.memory_space<vmem>>, %arg5: memref<1000x128xf32, #tpu.memory_space<vmem>>) attributes {dimension_semantics = [#tpu.dimension_semantics<arbitrary>], iteration_bounds = array<i64: 10>, scalar_prefetch = 0 : i64, scratch_operands = 0 : i64, tpu.core_type = #tpu.core_type<tc>, window_params = [{transform_indices = @transform_0, window_bounds = array<i64: 1000, 128>}, {pipeline_mode = #tpu.pipeline_mode<synchronous>, transform_indices = @transform_1, window_bounds = array<i64: 128, 128>}, {pipeline_mode = #tpu.pipeline_mode<synchronous>, transform_indices = @transform_2, window_bounds = array<i64: 128, 128>}, {transform_indices = @transform_3, window_bounds = array<i64: 1000, 128>}, {transform_indices = @transform_4, window_bounds = array<i64: 1000, 128>}]} {
    %get3A = arith.constant 0 : index
    %get3A_0 = arith.constant 0 : index
    %get3A_1 = vector.load %arg1[%get3A, %get3A_0] : memref<1000x128xf32, #tpu.memory_space<vmem>>, vector<1000x128xf32>
    %get3A_2 = arith.constant 0 : index
    %get3A_3 = arith.constant 0 : index
    %get3A_4 = vector.load %arg2[%get3A_2, %get3A_3] : memref<128x128xf32, #tpu.memory_space<vmem>>, vector<128x128xf32>
    %dot_general3A = arith.constant dense<0.000000e+00> : vector<1000x128xf32>
    %dot_general3A_5 = tpu.matmul %get3A_1, %get3A_4, %dot_general3A {dimension_numbers = #tpu.dot_dimension_numbers<[1], [0], [0], [1], [0, 0, 1, 1], [], []>, transpose_lhs_hint = false} : vector<1000x128xf32>, vector<128x128xf32>, vector<1000x128xf32> -> vector<1000x128xf32>
    %swap3A = arith.constant 0 : index
    %swap3A_6 = arith.constant 0 : index
    %swap3A_7 = vector.load %arg4[%swap3A, %swap3A_6] : memref<1000x128xf32, #tpu.memory_space<vmem>>, vector<1000x128xf32>
    tpu.vector_store %arg4[%swap3A, %swap3A_6], %dot_general3A_5 {strides = array<i32>} : memref<1000x128xf32, #tpu.memory_space<vmem>>, vector<1000x128xf32>,
    %get3A_8 = arith.constant 0 : index
    %get3A_9 = arith.constant 0 : index
    %get3A_10 = vector.load %arg3[%get3A_8, %get3A_9] : memref<128x128xf32, #tpu.memory_space<vmem>>, vector<128x128xf32>
    %dot_general3A_11 = arith.constant dense<0.000000e+00> : vector<1000x128xf32>
    %dot_general3A_12 = tpu.matmul %get3A_1, %get3A_10, %dot_general3A_11 {dimension_numbers = #tpu.dot_dimension_numbers<[1], [0], [0], [1], [0, 0, 1, 1], [], []>, transpose_lhs_hint = false} : vector<1000x128xf32>, vector<128x128xf32>, vector<1000x128xf32> -> vector<1000x128xf32>
    %swap3A_13 = arith.constant 0 : index
    %swap3A_14 = arith.constant 0 : index
    %swap3A_15 = vector.load %arg5[%swap3A_13, %swap3A_14] : memref<1000x128xf32, #tpu.memory_space<vmem>>, vector<1000x128xf32>
    tpu.vector_store %arg5[%swap3A_13, %swap3A_14], %dot_general3A_12 {strides = array<i32>} : memref<1000x128xf32, #tpu.memory_space<vmem>>, vector<1000x128xf32>,
    return
  }
  func.func @transform_0(%arg0: i32) -> (i32, i32) {
    %c0_i32 = arith.constant 0 : i32
    %c0_i32_0 = arith.constant 0 : i32
    return %arg0, %c0_i32 : i32, i32
  }
  func.func @transform_1(%arg0: i32) -> (i32, i32) {
    %c0_i32 = arith.constant 0 : i32
    %c0_i32_0 = arith.constant 0 : i32
    %c0_i32_1 = arith.constant 0 : i32
    return %c0_i32, %c0_i32_0 : i32, i32
  }
  func.func @transform_2(%arg0: i32) -> (i32, i32) {
    %c0_i32 = arith.constant 0 : i32
    %c0_i32_0 = arith.constant 0 : i32
    %c0_i32_1 = arith.constant 0 : i32
    return %c0_i32, %c0_i32_0 : i32, i32
  }
  func.func @transform_3(%arg0: i32) -> (i32, i32) {
    %c0_i32 = arith.constant 0 : i32
    %c0_i32_0 = arith.constant 0 : i32
    return %arg0, %c0_i32 : i32, i32
  }
  func.func @transform_4(%arg0: i32) -> (i32, i32) {
    %c0_i32 = arith.constant 0 : i32
    %c0_i32_0 = arith.constant 0 : i32
    return %arg0, %c0_i32 : i32, i32
  }
}

module attributes {stable_mosaic.version = 14 : i64} {
  func.func @_tc_layer2(%arg0: i32, %arg1: memref<1000x128xf32, #tpu.memory_space<vmem>>, %arg2: memref<1000x128xf32, #tpu.memory_space<vmem>>, %arg3: memref<1000x128xf32, #tpu.memory_space<vmem>>, %arg4: memref<1000x128xf32, #tpu.memory_space<vmem>>, %arg5: memref<1000x128xf32, #tpu.memory_space<vmem>>, %arg6: memref<1000x128xf32, #tpu.memory_space<vmem>>, %arg7: memref<128x128xf32, #tpu.memory_space<vmem>>, %arg8: memref<128xf32, #tpu.memory_space<vmem>>, %arg9: memref<128x128xf32, #tpu.memory_space<vmem>>, %arg10: memref<128xf32, #tpu.memory_space<vmem>>, %arg11: memref<1000x128xf32, #tpu.memory_space<vmem>>) attributes {dimension_semantics = [#tpu.dimension_semantics<arbitrary>], iteration_bounds = array<i64: 10>, scalar_prefetch = 0 : i64, scratch_operands = 0 : i64, tpu.core_type = #tpu.core_type<tc>, window_params = [{transform_indices = @transform_0, window_bounds = array<i64: 1000, 128>}, {transform_indices = @transform_1, window_bounds = array<i64: 1000, 128>}, {transform_indices = @transform_2, window_bounds = array<i64: 1000, 128>}, {transform_indices = @transform_3, window_bounds = array<i64: 1000, 128>}, {transform_indices = @transform_4, window_bounds = array<i64: 1000, 128>}, {transform_indices = @transform_5, window_bounds = array<i64: 1000, 128>}, {pipeline_mode = #tpu.pipeline_mode<synchronous>, transform_indices = @transform_6, window_bounds = array<i64: 128, 128>}, {pipeline_mode = #tpu.pipeline_mode<synchronous>, transform_indices = @transform_7, window_bounds = array<i64: 128>}, {pipeline_mode = #tpu.pipeline_mode<synchronous>, transform_indices = @transform_8, window_bounds = array<i64: 128, 128>}, {pipeline_mode = #tpu.pipeline_mode<synchronous>, transform_indices = @transform_9, window_bounds = array<i64: 128>}, {transform_indices = @transform_10, window_bounds = array<i64: 1000, 128>}]} {
    %get3A = arith.constant 0 : index
    %get3A_0 = arith.constant 0 : index
    %get3A_1 = vector.load %arg5[%get3A, %get3A_0] : memref<1000x128xf32, #tpu.memory_space<vmem>>, vector<1000x1xf32>
    %get3A_2 = arith.constant 0 : index
    %get3A_3 = arith.constant 0 : index
    %get3A_4 = vector.load %arg6[%get3A_2, %get3A_3] : memref<1000x128xf32, #tpu.memory_space<vmem>>, vector<1000x1xf32>
    %add3A = arith.addf %get3A_1, %get3A_4 : vector<1000x1xf32>
    %max3A = arith.constant 1.000000e+00 : f32
    %max3A_5 = vector.broadcast %max3A : f32 to vector<1000x1xf32>
    %max3A_6 = arith.maximumf %add3A, %max3A_5 : vector<1000x1xf32>
    %div3A = arith.constant 1.000000e+00 : f32
    %div3A_7 = vector.broadcast %div3A : f32 to vector<1000x1xf32>
    %div3A_8 = arith.divf %div3A_7, %max3A_6 : vector<1000x1xf32>
    %get3A_9 = arith.constant 0 : index
    %get3A_10 = arith.constant 0 : index
    %get3A_11 = vector.load %arg3[%get3A_9, %get3A_10] : memref<1000x128xf32, #tpu.memory_space<vmem>>, vector<1000x128xf32>
    %get3A_12 = arith.constant 0 : index
    %get3A_13 = arith.constant 0 : index
    %get3A_14 = vector.load %arg4[%get3A_12, %get3A_13] : memref<1000x128xf32, #tpu.memory_space<vmem>>, vector<1000x128xf32>
    %add3A_15 = arith.addf %get3A_11, %get3A_14 : vector<1000x128xf32>
    %mul3A = vector.broadcast %div3A_8 : vector<1000x1xf32> to vector<1000x128xf32>
    %mul3A_16 = arith.mulf %add3A_15, %mul3A : vector<1000x128xf32>
    %get3A_17 = arith.constant 0 : index
    %get3A_18 = arith.constant 0 : index
    %get3A_19 = vector.load %arg7[%get3A_17, %get3A_18] : memref<128x128xf32, #tpu.memory_space<vmem>>, vector<128x128xf32>
    %dot_general3A = arith.constant dense<0.000000e+00> : vector<1000x128xf32>
    %dot_general3A_20 = tpu.matmul %mul3A_16, %get3A_19, %dot_general3A {dimension_numbers = #tpu.dot_dimension_numbers<[1], [0], [0], [1], [0, 0, 1, 1], [], []>, transpose_lhs_hint = false} : vector<1000x128xf32>, vector<128x128xf32>, vector<1000x128xf32> -> vector<1000x128xf32>
    %get3A_21 = arith.constant 0 : index
    %get3A_22 = vector.load %arg8[%get3A_21] : memref<128xf32, #tpu.memory_space<vmem>>, vector<128xf32>
    %broadcast_in_dim3A = vector.shape_cast %get3A_22 : vector<128xf32> to vector<1x128xf32>
    %add3A_23 = vector.broadcast %broadcast_in_dim3A : vector<1x128xf32> to vector<1000x128xf32>
    %add3A_24 = arith.addf %dot_general3A_20, %add3A_23 : vector<1000x128xf32>
    %get3A_25 = arith.constant 0 : index
    %get3A_26 = arith.constant 0 : index
    %get3A_27 = vector.load %arg1[%get3A_25, %get3A_26] : memref<1000x128xf32, #tpu.memory_space<vmem>>, vector<1000x128xf32>
    %add3A_28 = arith.addf %add3A_24, %get3A_27 : vector<1000x128xf32>
    %max3A_29 = arith.constant 0.000000e+00 : f32
    %max3A_30 = vector.broadcast %max3A_29 : f32 to vector<1000x128xf32>
    %max3A_31 = arith.maximumf %add3A_28, %max3A_30 : vector<1000x128xf32>
    %get3A_32 = arith.constant 0 : index
    %get3A_33 = arith.constant 0 : index
    %get3A_34 = vector.load %arg9[%get3A_32, %get3A_33] : memref<128x128xf32, #tpu.memory_space<vmem>>, vector<128x128xf32>
    %dot_general3A_35 = arith.constant dense<0.000000e+00> : vector<1000x128xf32>
    %dot_general3A_36 = tpu.matmul %max3A_31, %get3A_34, %dot_general3A_35 {dimension_numbers = #tpu.dot_dimension_numbers<[1], [0], [0], [1], [0, 0, 1, 1], [], []>, transpose_lhs_hint = false} : vector<1000x128xf32>, vector<128x128xf32>, vector<1000x128xf32> -> vector<1000x128xf32>
    %get3A_37 = arith.constant 0 : index
    %get3A_38 = arith.constant 0 : index
    %get3A_39 = vector.load %arg2[%get3A_37, %get3A_38] : memref<1000x128xf32, #tpu.memory_space<vmem>>, vector<1000x128xf32>
    %add3A_40 = arith.addf %dot_general3A_36, %get3A_39 : vector<1000x128xf32>
    %get3A_41 = arith.constant 0 : index
    %get3A_42 = vector.load %arg10[%get3A_41] : memref<128xf32, #tpu.memory_space<vmem>>, vector<128xf32>
    %broadcast_in_dim3A_43 = vector.shape_cast %get3A_42 : vector<128xf32> to vector<1x128xf32>
    %add3A_44 = vector.broadcast %broadcast_in_dim3A_43 : vector<1x128xf32> to vector<1000x128xf32>
    %add3A_45 = arith.addf %add3A_40, %add3A_44 : vector<1000x128xf32>
    %max3A_46 = arith.constant 0.000000e+00 : f32
    %max3A_47 = vector.broadcast %max3A_46 : f32 to vector<1000x128xf32>
    %max3A_48 = arith.maximumf %add3A_45, %max3A_47 : vector<1000x128xf32>
    %swap3A = arith.constant 0 : index
    %swap3A_49 = arith.constant 0 : index
    %swap3A_50 = vector.load %arg11[%swap3A, %swap3A_49] : memref<1000x128xf32, #tpu.memory_space<vmem>>, vector<1000x128xf32>
    tpu.vector_store %arg11[%swap3A, %swap3A_49], %max3A_48 {strides = array<i32>} : memref<1000x128xf32, #tpu.memory_space<vmem>>, vector<1000x128xf32>,
    return
  }
  func.func @transform_0(%arg0: i32) -> (i32, i32) {
    %c0_i32 = arith.constant 0 : i32
    %c0_i32_0 = arith.constant 0 : i32
    return %arg0, %c0_i32 : i32, i32
  }
  func.func @transform_1(%arg0: i32) -> (i32, i32) {
    %c0_i32 = arith.constant 0 : i32
    %c0_i32_0 = arith.constant 0 : i32
    return %arg0, %c0_i32 : i32, i32
  }
  func.func @transform_2(%arg0: i32) -> (i32, i32) {
    %c0_i32 = arith.constant 0 : i32
    %c0_i32_0 = arith.constant 0 : i32
    return %arg0, %c0_i32 : i32, i32
  }
  func.func @transform_3(%arg0: i32) -> (i32, i32) {
    %c0_i32 = arith.constant 0 : i32
    %c0_i32_0 = arith.constant 0 : i32
    return %arg0, %c0_i32 : i32, i32
  }
  func.func @transform_4(%arg0: i32) -> (i32, i32) {
    %c0_i32 = arith.constant 0 : i32
    %c0_i32_0 = arith.constant 0 : i32
    return %arg0, %c0_i32 : i32, i32
  }
  func.func @transform_5(%arg0: i32) -> (i32, i32) {
    %c0_i32 = arith.constant 0 : i32
    %c0_i32_0 = arith.constant 0 : i32
    return %arg0, %c0_i32 : i32, i32
  }
  func.func @transform_6(%arg0: i32) -> (i32, i32) {
    %c0_i32 = arith.constant 0 : i32
    %c0_i32_0 = arith.constant 0 : i32
    %c0_i32_1 = arith.constant 0 : i32
    return %c0_i32, %c0_i32_0 : i32, i32
  }
  func.func @transform_7(%arg0: i32) -> i32 {
    %c0_i32 = arith.constant 0 : i32
    %c0_i32_0 = arith.constant 0 : i32
    return %c0_i32 : i32
  }
  func.func @transform_8(%arg0: i32) -> (i32, i32) {
    %c0_i32 = arith.constant 0 : i32
    %c0_i32_0 = arith.constant 0 : i32
    %c0_i32_1 = arith.constant 0 : i32
    return %c0_i32, %c0_i32_0 : i32, i32
  }
  func.func @transform_9(%arg0: i32) -> i32 {
    %c0_i32 = arith.constant 0 : i32
    %c0_i32_0 = arith.constant 0 : i32
    return %c0_i32 : i32
  }
  func.func @transform_10(%arg0: i32) -> (i32, i32) {
    %c0_i32 = arith.constant 0 : i32
    %c0_i32_0 = arith.constant 0 : i32
    return %arg0, %c0_i32 : i32, i32
  }
}

</mosaic_0001>

<sc_bundles>
// kernel: kernel.11.cloned.1.call-start
scs
__scs_entry_jumppad:
0x0: {  	(pc) =	sbr.rel $0x88, $3  }
0x1: {  	(tag) =	ssettag $0x0;
	lr =	simm.s32 $0x1  }
0x2: {  	[smem:$0x3F97] =	sst lr;
	_ =	strace $0xD0000000  }
0x3: {  	_ = 	snop  }
0x4: {  	_ = 	snop  }
0x5: {  	_ = 	snop  }
0x6: {  	_ = 	snop  }
0x7: {  	_ = 	snop  }
__scs_overlays_trampoline_lowered:
0x8: {  	[smem:$0x3FA6] =	sst s0  }
0x9: {  	[smem:$0x3FA7] =	sst s1  }
0xa: {  	[smem:$0x3FA8] =	sst s2  }
0xb: {  	[smem:$0x3FA9] =	sst s3  }
0xc: {  	[smem:$0x3FAA] =	sst s4  }
0xd: {  	[smem:$0x3FAB] =	sst s5  }
0xe: {  	[smem:$0x3FAC] =	sst s6  }
0xf: {  	[smem:$0x3FAD] =	sst s7  }
0x10: {  	[smem:$0x3FAE] =	sst s8  }
0x11: {  	[smem:$0x3FAF] =	sst s9;
	s0 =	simm.s32 @!p0 $0x0  }
0x12: {  	s1 =	sld [smem:$0x3F95];
	s0 =	simm.s32 @p0 $0x1  }
0x13: {  	[smem:$0x3FB0] =	sst s0;
	s0 =	simm.s32 @!p1 $0x0  }
0x14: {  	s2 =	sld [smem:$0x3F94];
	s0 =	simm.s32 @p1 $0x1  }
0x15: {  	[smem:$0x3FB1] =	sst s0;
	s0 =	simm.s32 @!p2 $0x0  }
0x16: {  	s3 =	sld [smem:$0x3FDB];
	s0 =	simm.s32 @p2 $0x1  }
0x17: {  	s4 =	simm.s32 $0x1BF5;
	[smem:$0x3FB3] =	sst s0  }
0x18: {  	s0 =	sld [smem:$0x3F96];
	_ =	swait.ge [sflag:s4], $0x0  }
0x19: {  	s7 =	sld [smem:$0x3F97]  }
0x1a: {  	s8 =	sadd.s32 $0xFFFFE003, lr  }
0x1b: {  	s9 =	sadd.s32 $0xFFFFFEF7, lr;
	s5 =	simm.s32 $0xFFFFFFFF;
	p2 =	slt.u32 s8, $0xFFFFF086  }
0x1c: {  	p1 =	slt.u32 s9, $0xF7A;
	s5 =	simm.s32 @!p2 $0x0  }
0x1d: {  	s5 =	simm.s32 @p1 $0x1;
	p0 =	seq.s32 s7, s2  }
0x1e: {  	s7 =	smul.u32 @!p0 $0xF7A, s2;
	p2 =	seq.s32 @!p0 s5, $0x0  }
0x1f: {  	s9 =	smul.u32 $0xF7A, s1;
	s8 =	simm.s32 @!p0 $0x1BF5;
	p2 =	por !p2, p0  }
0x20: {  	[sflag:s8] =	ssyncset.s32 @!p0 $0xFFFFF086;
	s6 =	sadd.s32 @!p0 s3, s7;
	s7 =	simm.s32 @!p0 $0x108  }
0x21: {  	s3 =	sadd.s32 s3, s9;
	s6 =	sadd.s32 @!p0 $0x88, s6;
	s7 =	simm.s32 @p2 $0x1082  }
0x22: {  	[simem:s7], [sflag:s8] =	dma.local @!p0 [hbm:s6], $0xF7A  }
0x23: {  	s9 =	sor.u32 $0xD0000000, s2;
	s6 =	simm.s32 $0x108;
	_ =	swait.ge @!p0 [sflag:s8], $0x0  }
0x24: {  	s3 =	sadd.s32 $0x88, s3;
	s6 =	simm.s32 @!p1 $0x1082;
	[sflag:s4] =	ssyncset.s32 $0xFFFFF086  }
0x25: {  	[simem:s6], [sflag:s4] =	dma.local [hbm:s3], $0xF7A  }
0x26: {  	[smem:$0x3F97] =	sst s1;
	(tag) =	ssettag s2;
	_ =	strace s9  }
0x27: {  	s1 =	sld [smem:$0x3FA7]  }
0x28: {  	s2 =	sld [smem:$0x3FA8]  }
0x29: {  	s4 =	sld [smem:$0x3FAA]  }
0x2a: {  	p0 =	seq.s32 s5, $0x0;
	s5 =	sld [smem:$0x3FAB]  }
0x2b: {  	s6 =	sld [smem:$0x3FAC]  }
0x2c: {  	s7 =	sld [smem:$0x3FAD]  }
0x2d: {  	s3 =	simm.s32 $0x108;
	s8 =	sld [smem:$0x3FAE]  }
0x2e: {  	s3 =	simm.s32 @!p0 $0x1082;
	s9 =	sld [smem:$0x3FAF]  }
0x2f: {  	lr =	sadd.s32 s0, s3;
	s0 =	sld [smem:$0x3FA6]  }
0x30: {  	s3 =	sld [smem:$0x3FA9]  }
0x31: {  	[smem:$0x3FB2] =	sst s10  }
0x32: {  	s10 =	sld [smem:$0x3FB0];
	_ =	sdelay $0x3  }
0x33: {  	p0 =	seq.s32 s10, $0x1;
	s10 =	sld [smem:$0x3FB2];
	_ =	sdelay $0x3  }
0x34: {  	[smem:$0x3FB2] =	sst s10  }
0x35: {  	s10 =	sld [smem:$0x3FB1];
	_ =	sdelay $0x3  }
0x36: {  	p1 =	seq.s32 s10, $0x1;
	s10 =	sld [smem:$0x3FB2];
	_ =	sdelay $0x3  }
0x37: {  	[smem:$0x3FB2] =	sst s10  }
0x38: {  	s10 =	sld [smem:$0x3FB3]  }
0x39: {  	_ = 	snop;
	(pc) =	sbr.ind lr, $3  }
0x3a: {  	_ = 	snop  }
0x3b: {  	_ = 	snop  }
0x3c: {  	p2 =	seq.s32 s10, $0x1;
	s10 =	sld [smem:$0x3FB2]  }
0x3d: {  	_ =	shalt  }
0x3e: {  	_ =	shalt  }
0x3f: {  	_ =	shalt  }
0x40: {  	_ =	shalt  }
0x41: {  	_ =	shalt  }
0x42: {  	_ =	shalt  }
0x43: {  	_ =	shalt  }
0x44: {  	_ =	shalt  }
0x45: {  	_ =	shalt  }
0x46: {  	_ =	shalt  }
0x47: {  	_ =	shalt  }
0x48: {  	_ =	shalt  }
0x49: {  	_ =	shalt  }
0x4a: {  	_ =	shalt  }
0x4b: {  	_ =	shalt  }
0x4c: {  	_ =	shalt  }
0x4d: {  	_ =	shalt  }
0x4e: {  	_ =	shalt  }
0x4f: {  	_ =	shalt  }
0x50: {  	_ =	shalt  }
0x51: {  	_ =	shalt  }
0x52: {  	_ =	shalt  }
0x53: {  	_ =	shalt  }
0x54: {  	_ =	shalt  }
0x55: {  	_ =	shalt  }
0x56: {  	_ =	shalt  }
0x57: {  	_ =	shalt  }
0x58: {  	_ =	shalt  }
0x59: {  	_ =	shalt  }
0x5a: {  	_ =	shalt  }
0x5b: {  	_ =	shalt  }
0x5c: {  	_ =	shalt  }
0x5d: {  	_ =	shalt  }
0x5e: {  	_ =	shalt  }
0x5f: {  	_ =	shalt  }
0x60: {  	_ =	shalt  }
0x61: {  	_ =	shalt  }
0x62: {  	_ =	shalt  }
0x63: {  	_ =	shalt  }
0x64: {  	_ =	shalt  }
0x65: {  	_ =	shalt  }
0x66: {  	_ =	shalt  }
0x67: {  	_ =	shalt  }
0x68: {  	_ =	shalt  }
0x69: {  	_ =	shalt  }
0x6a: {  	_ =	shalt  }
0x6b: {  	_ =	shalt  }
0x6c: {  	_ =	shalt  }
0x6d: {  	_ =	shalt  }
0x6e: {  	_ =	shalt  }
0x6f: {  	_ =	shalt  }
0x70: {  	_ =	shalt  }
0x71: {  	_ =	shalt  }
0x72: {  	_ =	shalt  }
0x73: {  	_ =	shalt  }
0x74: {  	_ =	shalt  }
0x75: {  	_ =	shalt  }
0x76: {  	_ =	shalt  }
0x77: {  	_ =	shalt  }
0x78: {  	_ =	shalt  }
0x79: {  	_ =	shalt  }
0x7a: {  	_ =	shalt  }
0x7b: {  	_ =	shalt  }
0x7c: {  	_ =	shalt  }
0x7d: {  	_ =	shalt  }
0x7e: {  	_ =	shalt  }
0x7f: {  	_ =	shalt  }
0x80: {  	_ =	shalt  }
0x81: {  	_ =	shalt  }
0x82: {  	_ =	shalt  }
0x83: {  	_ =	shalt  }
0x84: {  	_ =	shalt  }
0x85: {  	_ =	shalt  }
0x86: {  	_ =	shalt  }
0x87: {  	_ =	shalt  }
.Lfunc_end0:
.L_simem_size_0:
called_computation.1_lowered:
.L_overlay_start_0:
0x88: {  	s2 =	sld [smem:$0x3FD9]  }
0x89: {  	s3 =	sld [smem:$0x3FFE];
	_ =	sdelay $0x1  }
0x8a: {  	s1 =	srdreg.scid  }
0x8b: {  	s0 =	sand.u32 $0x1, s1  }
0x8c: {  	s17 =	sshll.u32 s0, $0xA;
	s2 =	sadd.s32 s3, s2  }
0x8d: {  	s2 =	sadd.s32 s2, s17  }
0x8e: {  	[smem:$0x3FBE] =	sst s2  }
0x8f: {  	_ = 	snop  }
0x90: {  	s2 =	sld [smem:$0x3FD0];
	(tm) =	ssettm $0x1  }
0x91: {  	s18 =	sld [smem:$0x3FFB];
	_ =	sdelay $0x3  }
0x92: {  	_ =	strace s18  }
0x93: {  	s3 =	sld [smem:$0x3FFC];
	_ =	sdelay $0x3  }
0x94: {  	_ =	strace s3  }
0x95: {  	s3 =	sld [smem:$0x3FFD];
	_ =	sdelay $0x3  }
0x96: {  	_ =	strace s3  }
0x97: {  	_ =	strace $0x8FFFFFFF  }
0x98: {  	s19 =	sld [smem:$0x3FDB];
	_ =	sdelay $0x1  }
0x99: {  	s4 =	simm.s32 $_scs_section_size  }
0x9a: {  	s5 =	simm.s32 $_size__tile_overlayer_lowered;
	s6 =	simm.s32 $_tile_overlayer_lowered  }
0x9b: {  	s22 =	simm.s32 $0x1BFF;
	s21 =	sshll.u32 s6, $0x1;
	s3 =	sadd.s32 s4, s19  }
0x9c: {  	s7 =	simm.s32 $0x0;
	s20 =	sshll.u32 s5, $0x1;
	s5 =	sadd.s32 s21, s3  }
0x9d: {  	[timem:s7], [sflag:s22] =	dma.local [hbm:s5], s20  }
0x9e: {  	_ =	swait.ge [sflag:s22], s20  }
0x9f: {  	s4 =	ssub.s32 $0x0, s20;
	[sflag:s22] =	ssyncset.done $0x0  }
0xa0: {  	[sflag:s22] =	ssyncadd.s32 s4;
	_ =	sdelay $0x1  }
0xa1: {  	s23 =	simm.s32 $0x1B8B  }
0xa2: {  	_ =	swait.ge [sflag:s23], $0x1  }
0xa3: {  	[sflag:s23] =	ssyncset.done $0x0  }
0xa4: {  	s25 =	simm.s32 $0x1B8E;
	s24 =	sld [smem:$0x3FFE];
	[sflag:s23] =	ssyncadd.s32 $0xFFFFFFFF  }
0xa5: {  	s26 =	simm.s32 $execute0_lowered;
	[smem:$0x3FD2] =	sst s25  }
0xa6: {  	s5 =	sshll.u32 s26, $0x1;
	_ =	strace $0x80000049;
	[dreg:$0x1] =	wrdreg $0xFFFFFFFF  }
0xa7: {  	s28 =	simm.s32 $_size_execute0_lowered;
	s3 =	sadd.s32 s3, s5;
	[dreg:$0x0] =	wrdreg $0x0  }
0xa8: {  	s5 =	sshll.u32 s28, $0x1;
	[dreg:$0x2] =	wrdreg s3  }
0xa9: {  	[dreg:$0x3] =	wrdreg s5  }
0xaa: {  	[dreg:$0x4] =	wrdreg $0xC0  }
0xab: {  	_ =	task [dreg:s7], $0x5FFFF  }
0xac: {  	[dreg:$0x1] =	wrdreg $0xFFFFFFFF  }
0xad: {  	[dreg:$0x0] =	wrdreg $0x60  }
0xae: {  	[dreg:$0x2] =	wrdreg s2  }
0xaf: {  	[dreg:$0x3] =	wrdreg s24  }
0xb0: {  	[dreg:$0x4] =	wrdreg $0x90000  }
0xb1: {  	[dreg:$0x5] =	wrdreg $0x9  }
0xb2: {  	_ =	task.clear_ibuf [dreg:s7], $0x6FFFF;
	_ =	strace $0x90000049  }
0xb3: {  	s29 =	simm.s32 $0x9;
	_ =	strace $0x8000004B  }
0xb4: {  	_ =	swait.ge [sflag:s29], $0x1  }
0xb5: {  	[sflag:s29] =	ssyncadd.s32 $0xFFFFFFFF  }
0xb6: {  	_ =	strace $0x9000004B  }
0xb7: {  	_ =	sfence  }
0xb8: {  	s30 =	sld [smem:$0x0];
	_ =	sdelay $0x2  }
0xb9: {  	s31 =	sshll.u32 s1, $0xD;
	s1 =	sshrl.u32 s1, $0x2  }
0xba: {  	s3 =	sand.u32 $0x4000, s31;
	s1 =	sadd.s32 s1, s30  }
0xbb: {  	s0 =	sor.u32 s3, s0;
	s1 =	sshll.u32 s1, $0x11  }
0xbc: {  	s0 =	sor.u32 s1, s0  }
0xbd: {  	s0 =	sadd.s32 $0x8F2B, s0  }
0xbe: {  	[sflag:s0] =	ssyncadd.remote.s32 $0x1  }
0xbf: {  	_ =	sfence.sel $0xFFFF  }
0xc0: {  	[dreg:$0x0] =	wrdreg $0xFFFFFFFF;
	(pc) =	sbr.abs _section_cstart, $3  }
0xc1: {  	[dreg:$0x1] =	wrdreg $0xFFFFFFFF  }
0xc2: {  	_ =	task.clear_ibuf [dreg:s7], $0x2FFFF;
	_ =	strace $0x9FFFFFFF  }
0xc3: {  	(tm) =	ssettm $0x7FFFFFFF  }
tec
execute0_lowered:
.L_overlay_start_1:
0x0: {  	(tag) =	ssettag $0x1  }
0x1: {  	s0 =	rddreg [dreg:$0x0]  }
0x2: {  	s1 =	srdreg.scid;
	s6 =	rddreg [dreg:$0x1]  }
0x3: {  	s3 =	rddreg [dreg:$0x2];
	s2 =	stileid.u32  }
0x4: {  	s4 =	simm.s32 $0x0;
	s13 =	simm.s32 $0x80;
	s14 =	simm.s32 $0x5000  }
0x5: {  	s5 =	sand.u32 $0x1, s1;
	s1 =	rddreg [dreg:$0x3];
	s10 =	smul.u32 $0x50000, s2  }
0x6: {  	s15 =	simm.s32 $0x1;
	[smem:$0x7FF] =	sst s4;
	s17 =	smul.u32 $0x2800, s2  }
0x7: {  	s11 =	sshll.u32 s2, $0x6;
	s7 =	sshll.u32 s5, $0x4;
	_ =	strace $0x8000004A  }
0x8: {  	s8 =	smul.u32 $0x28000, s5;
	s9 =	ssub.s32 $0x2, s5;
	s5 =	sadd.s32 $0x16800, s6  }
0x9: {  	s11 =	sor.u32 $0x1C02, s11;
	s7 =	sor.u32 s2, s7;
	s31 =	sshrl.u32 s9, $0x1  }
0xa: {  	s10 =	sshrl.u32 s10, $0x2;
	s7 =	smul.u32 $0x500, s7;
	s8 =	sadd.s32 s8, s6  }
0xb: {  	s9 =	ssub.s32 s9, s31;
	s12 =	sadd.s32 s10, s3;
	s10 =	simm.s32 $0x2800  }
0xc: {  	s16 =	sadd.s32 $0x19000, s8;
	s8 =	smax.u32 s9, $0x1;
	s9 =	simm.s32 $0x2  }
0xd: {  	s12 =	sshrl.u32 s12, $0x3;
	s7 =	sadd.s32 s7, s6;
	s16 =	sadd.s32 s17, s16  }
0xe: {  	s17 =	simm.s32 $0x0;
	s6 =	sadd.s32 $0x2800, s7;
	s7 =	sadd.s32 $0xC800, s7  }
.LBB2_1:
0xf: {  	[tilespmem:s4], [sflag:$0x2] =	stream.linear.gather [hbm4b:s6+s4], $0x2780, $0x38;
	[tilespmem:$0x1D000] =	vst v63  }
0x10: {  	_ =	swait.ge [sflag:s9], $0x2780  }
0x11: {  	[sflag:s9] =	ssyncset.done $0x0  }
0x12: {  	[sflag:s9] =	ssyncadd.s32 $0xFFFFD880  }
0x13: {  	[tilespmem:s10], [sflag:$0x2] =	stream.linear.gather [hbm4b:s7+s4], $0x2780, $0x38;
	[tilespmem:$0x1D000] =	vst v63  }
0x14: {  	_ =	swait.ge [sflag:s9], $0x2780  }
0x15: {  	[sflag:s9] =	ssyncset.done $0x0  }
0x16: {  	[sflag:s9] =	ssyncadd.s32 $0xFFFFD880  }
0x17: {  	[spmem:s12], [sflag:s11] =	dma.local [hbm:s5], $0x2800  }
0x18: {  	_ =	swait.ge [sflag:s9], $0x2800  }
0x19: {  	[sflag:s9] =	ssyncset.done $0x0  }
0x1a: {  	[sflag:s9] =	ssyncadd.s32 $0xFFFFD800  }
0x1b: {  	s18 =	simm.s32 $0x0;
	[bflag:$0x0] =	sbarrier.arrive $0xFFFF  }
0x1c: {  	[tilespmem:s14], [sflag:$0x1] =	stream.indirect.gather [hbm4b:s0+s13], $0x80, s18, s13, $0xb8;
	[tilespmem:$0x1D000] =	vst v63  }
0x1d: {  	_ =	swait.ge [sflag:s15], $0x4000  }
0x1e: {  	[sflag:s15] =	ssyncset.done $0x0  }
0x1f: {  	s31 =	simm.s32 $0x2800;
	[sflag:s15] =	ssyncadd.s32 $0xFFFFC000  }
0x20: {  	[spmem:s3] =	stream.indirect.scatter.add.f32 [tilespmem:s14], [sflag:$0x2], $0x80, s31, s13, $0xb8;
	[tilespmem:$0x1D000] =	vst v63  }
0x21: {  	_ =	swait.ge [sflag:s9], $0x4000  }
0x22: {  	s19 =	simm.s32 $0x400;
	s18 =	simm.s32 $0x200;
	[sflag:s9] =	ssyncset.done $0x0  }
.LBB2_2:
0x23: {  	s20 =	sshra.s32 s18, $0x2  }
0x24: {  	[sflag:s9] =	ssyncadd.s32 $0xFFFFC000;
	s18 =	smov.u32 s19;
	s21 =	sadd.s32 $0x200, s19  }
0x25: {  	[tilespmem:s14], [sflag:$0x1] =	stream.indirect.gather [hbm4b:s0+s13], $0x80, s20, s13, $0xb8;
	[tilespmem:$0x1D000] =	vst v63  }
0x26: {  	p0 =	sne.s32 s19, $0x9C00;
	_ =	swait.ge [sflag:s15], $0x4000  }
.Ltmp0:
0x27: {  	[sflag:s15] =	ssyncset.done $0x0;
	(pc) =	sbr.rel @p0 .LBB2_2-.Ltmp0, $4  }
0x28: {  	s19 =	sadd.s32 $0x2800, s20;
	[sflag:s15] =	ssyncadd.s32 $0xFFFFC000  }
0x29: {  	[spmem:s3] =	stream.indirect.scatter.add.f32 [tilespmem:s14], [sflag:$0x2], $0x80, s19, s13, $0xb8;
	[tilespmem:$0x1D000] =	vst v63  }
0x2a: {  	_ =	swait.ge [sflag:s9], $0x4000  }
0x2b: {  	s19 =	smov.u32 s21;
	[sflag:s9] =	ssyncset.done $0x0  }
0x2c: {  	s18 =	sshra.s32 s18, $0x2;
	[sflag:s9] =	ssyncadd.s32 $0xFFFFC000  }
0x2d: {  	[tilespmem:s14], [sflag:$0x1] =	stream.indirect.gather [hbm4b:s0+s13], $0x80, s18, s13, $0xb8;
	[tilespmem:$0x1D000] =	vst v63  }
0x2e: {  	_ =	swait.ge [sflag:s15], $0x4000  }
0x2f: {  	[sflag:s15] =	ssyncset.done $0x0  }
0x30: {  	s18 =	sadd.s32 $0x2800, s18;
	[sflag:s15] =	ssyncadd.s32 $0xFFFFC000  }
0x31: {  	[spmem:s3] =	stream.indirect.scatter.add.f32 [tilespmem:s14], [sflag:$0x2], $0x80, s18, s13, $0xb8;
	[tilespmem:$0x1D000] =	vst v63  }
0x32: {  	_ =	swait.ge [sflag:s9], $0x4000  }
0x33: {  	s17 =	sadd.s32 $0x1, s17;
	[sflag:s9] =	ssyncset.done $0x0  }
0x34: {  	p0 =	sne.s32 s17, s8;
	[sflag:s9] =	ssyncadd.s32 $0xFFFFC000  }
.Ltmp1:
0x35: {  	[bflag:$0x0] =	sbarrier.arrive $0xFFFF;
	(pc) =	sbr.rel @p0 .LBB2_1-.Ltmp1, $4  }
0x36: {  	[hbm:s16], [sflag:s11] =	dma.local [spmem:s12], $0x2800  }
0x37: {  	_ =	swait.ge [sflag:s9], $0x2800  }
0x38: {  	[sflag:s9] =	ssyncset.done $0x0  }
0x39: {  	[sflag:s9] =	ssyncadd.s32 $0xFFFFD800  }
0x3a: {  	_ =	sfence.sel $0x180000  }
0x3b: {  	[bflag:$0x0] =	sbarrier.arrive $0xFFFF  }
0x3c: {  	p0 =	sne.s32 s2, $0x0;
	_ =	strace $0x9000004A  }
0x3d: {  	s0 =	sadd.s32 @!p0 $0x100000, s1;
	[bflag:$0x2] =	sbarrier.arrive $0xFFFF  }
0x3e: {  	[sflag:s0] =	ssyncadd.tile.s32 @!p0 $0x1;
	_ =	shalt  }
.Lfunc_end2:
_tile_overlayer_lowered:
.L_overlay_start_2:
0x3f: {  	(tag) =	ssettag $0x2  }
0x40: {  	s0 =	rddreg [dreg:$0x0];
	s2 =	stileid.u32  }
0x41: {  	s1 =	rddreg [dreg:$0x1];
	p0 =	sne.s32 s2, $0x0  }
0x42: {  	s3 =	rddreg [dreg:$0x2];
	[bflag:$0x3] =	sbarrier.arrive $0xFFFF;
	s2 =	simm.s32 @!p0 $0x1C02  }
0x43: {  	[timem:s3], [sflag:s2] =	dma.local @!p0 [hbm:s0], s1  }
0x44: {  	s0 =	simm.s32 @!p0 $0x2  }
0x45: {  	_ =	swait.ge @!p0 [sflag:s0], s1  }
0x46: {  	s1 =	ssub.s32 @!p0 $0x0, s1;
	[sflag:s0] =	ssyncset.done @!p0 $0x0  }
0x47: {  	[sflag:s0] =	ssyncadd.s32 @!p0 s1  }
0x48: {  	[bflag:$0x3] =	sbarrier.arrive $0xFFFF  }
0x49: {  	_ =	shalt  }

// kernel: kernel.8.cloned.1.call-start
scs
__scs_entry_jumppad:
0x0: {  	(pc) =	sbr.rel $0x88, $3  }
0x1: {  	(tag) =	ssettag $0x0;
	lr =	simm.s32 $0x1  }
0x2: {  	[smem:$0x3F97] =	sst lr;
	_ =	strace $0xD0000000  }
0x3: {  	_ = 	snop  }
0x4: {  	_ = 	snop  }
0x5: {  	_ = 	snop  }
0x6: {  	_ = 	snop  }
0x7: {  	_ = 	snop  }
__scs_overlays_trampoline_lowered:
0x8: {  	[smem:$0x3FA6] =	sst s0  }
0x9: {  	[smem:$0x3FA7] =	sst s1  }
0xa: {  	[smem:$0x3FA8] =	sst s2  }
0xb: {  	[smem:$0x3FA9] =	sst s3  }
0xc: {  	[smem:$0x3FAA] =	sst s4  }
0xd: {  	[smem:$0x3FAB] =	sst s5  }
0xe: {  	[smem:$0x3FAC] =	sst s6  }
0xf: {  	[smem:$0x3FAD] =	sst s7  }
0x10: {  	[smem:$0x3FAE] =	sst s8  }
0x11: {  	[smem:$0x3FAF] =	sst s9;
	s0 =	simm.s32 @!p0 $0x0  }
0x12: {  	s1 =	sld [smem:$0x3F95];
	s0 =	simm.s32 @p0 $0x1  }
0x13: {  	[smem:$0x3FB0] =	sst s0;
	s0 =	simm.s32 @!p1 $0x0  }
0x14: {  	s2 =	sld [smem:$0x3F94];
	s0 =	simm.s32 @p1 $0x1  }
0x15: {  	[smem:$0x3FB1] =	sst s0;
	s0 =	simm.s32 @!p2 $0x0  }
0x16: {  	s3 =	sld [smem:$0x3FDB];
	s0 =	simm.s32 @p2 $0x1  }
0x17: {  	s4 =	simm.s32 $0x1BF5;
	[smem:$0x3FB3] =	sst s0  }
0x18: {  	s0 =	sld [smem:$0x3F96];
	_ =	swait.ge [sflag:s4], $0x0  }
0x19: {  	s7 =	sld [smem:$0x3F97]  }
0x1a: {  	s8 =	sadd.s32 $0xFFFFE003, lr  }
0x1b: {  	s9 =	sadd.s32 $0xFFFFFEF7, lr;
	s5 =	simm.s32 $0xFFFFFFFF;
	p2 =	slt.u32 s8, $0xFFFFF086  }
0x1c: {  	p1 =	slt.u32 s9, $0xF7A;
	s5 =	simm.s32 @!p2 $0x0  }
0x1d: {  	s5 =	simm.s32 @p1 $0x1;
	p0 =	seq.s32 s7, s2  }
0x1e: {  	s7 =	smul.u32 @!p0 $0xF7A, s2;
	p2 =	seq.s32 @!p0 s5, $0x0  }
0x1f: {  	s9 =	smul.u32 $0xF7A, s1;
	s8 =	simm.s32 @!p0 $0x1BF5;
	p2 =	por !p2, p0  }
0x20: {  	[sflag:s8] =	ssyncset.s32 @!p0 $0xFFFFF086;
	s6 =	sadd.s32 @!p0 s3, s7;
	s7 =	simm.s32 @!p0 $0x108  }
0x21: {  	s3 =	sadd.s32 s3, s9;
	s6 =	sadd.s32 @!p0 $0x88, s6;
	s7 =	simm.s32 @p2 $0x1082  }
0x22: {  	[simem:s7], [sflag:s8] =	dma.local @!p0 [hbm:s6], $0xF7A  }
0x23: {  	s9 =	sor.u32 $0xD0000000, s2;
	s6 =	simm.s32 $0x108;
	_ =	swait.ge @!p0 [sflag:s8], $0x0  }
0x24: {  	s3 =	sadd.s32 $0x88, s3;
	s6 =	simm.s32 @!p1 $0x1082;
	[sflag:s4] =	ssyncset.s32 $0xFFFFF086  }
0x25: {  	[simem:s6], [sflag:s4] =	dma.local [hbm:s3], $0xF7A  }
0x26: {  	[smem:$0x3F97] =	sst s1;
	(tag) =	ssettag s2;
	_ =	strace s9  }
0x27: {  	s1 =	sld [smem:$0x3FA7]  }
0x28: {  	s2 =	sld [smem:$0x3FA8]  }
0x29: {  	s4 =	sld [smem:$0x3FAA]  }
0x2a: {  	p0 =	seq.s32 s5, $0x0;
	s5 =	sld [smem:$0x3FAB]  }
0x2b: {  	s6 =	sld [smem:$0x3FAC]  }
0x2c: {  	s7 =	sld [smem:$0x3FAD]  }
0x2d: {  	s3 =	simm.s32 $0x108;
	s8 =	sld [smem:$0x3FAE]  }
0x2e: {  	s3 =	simm.s32 @!p0 $0x1082;
	s9 =	sld [smem:$0x3FAF]  }
0x2f: {  	lr =	sadd.s32 s0, s3;
	s0 =	sld [smem:$0x3FA6]  }
0x30: {  	s3 =	sld [smem:$0x3FA9]  }
0x31: {  	[smem:$0x3FB2] =	sst s10  }
0x32: {  	s10 =	sld [smem:$0x3FB0];
	_ =	sdelay $0x3  }
0x33: {  	p0 =	seq.s32 s10, $0x1;
	s10 =	sld [smem:$0x3FB2];
	_ =	sdelay $0x3  }
0x34: {  	[smem:$0x3FB2] =	sst s10  }
0x35: {  	s10 =	sld [smem:$0x3FB1];
	_ =	sdelay $0x3  }
0x36: {  	p1 =	seq.s32 s10, $0x1;
	s10 =	sld [smem:$0x3FB2];
	_ =	sdelay $0x3  }
0x37: {  	[smem:$0x3FB2] =	sst s10  }
0x38: {  	s10 =	sld [smem:$0x3FB3]  }
0x39: {  	_ = 	snop;
	(pc) =	sbr.ind lr, $3  }
0x3a: {  	_ = 	snop  }
0x3b: {  	_ = 	snop  }
0x3c: {  	p2 =	seq.s32 s10, $0x1;
	s10 =	sld [smem:$0x3FB2]  }
0x3d: {  	_ =	shalt  }
0x3e: {  	_ =	shalt  }
0x3f: {  	_ =	shalt  }
0x40: {  	_ =	shalt  }
0x41: {  	_ =	shalt  }
0x42: {  	_ =	shalt  }
0x43: {  	_ =	shalt  }
0x44: {  	_ =	shalt  }
0x45: {  	_ =	shalt  }
0x46: {  	_ =	shalt  }
0x47: {  	_ =	shalt  }
0x48: {  	_ =	shalt  }
0x49: {  	_ =	shalt  }
0x4a: {  	_ =	shalt  }
0x4b: {  	_ =	shalt  }
0x4c: {  	_ =	shalt  }
0x4d: {  	_ =	shalt  }
0x4e: {  	_ =	shalt  }
0x4f: {  	_ =	shalt  }
0x50: {  	_ =	shalt  }
0x51: {  	_ =	shalt  }
0x52: {  	_ =	shalt  }
0x53: {  	_ =	shalt  }
0x54: {  	_ =	shalt  }
0x55: {  	_ =	shalt  }
0x56: {  	_ =	shalt  }
0x57: {  	_ =	shalt  }
0x58: {  	_ =	shalt  }
0x59: {  	_ =	shalt  }
0x5a: {  	_ =	shalt  }
0x5b: {  	_ =	shalt  }
0x5c: {  	_ =	shalt  }
0x5d: {  	_ =	shalt  }
0x5e: {  	_ =	shalt  }
0x5f: {  	_ =	shalt  }
0x60: {  	_ =	shalt  }
0x61: {  	_ =	shalt  }
0x62: {  	_ =	shalt  }
0x63: {  	_ =	shalt  }
0x64: {  	_ =	shalt  }
0x65: {  	_ =	shalt  }
0x66: {  	_ =	shalt  }
0x67: {  	_ =	shalt  }
0x68: {  	_ =	shalt  }
0x69: {  	_ =	shalt  }
0x6a: {  	_ =	shalt  }
0x6b: {  	_ =	shalt  }
0x6c: {  	_ =	shalt  }
0x6d: {  	_ =	shalt  }
0x6e: {  	_ =	shalt  }
0x6f: {  	_ =	shalt  }
0x70: {  	_ =	shalt  }
0x71: {  	_ =	shalt  }
0x72: {  	_ =	shalt  }
0x73: {  	_ =	shalt  }
0x74: {  	_ =	shalt  }
0x75: {  	_ =	shalt  }
0x76: {  	_ =	shalt  }
0x77: {  	_ =	shalt  }
0x78: {  	_ =	shalt  }
0x79: {  	_ =	shalt  }
0x7a: {  	_ =	shalt  }
0x7b: {  	_ =	shalt  }
0x7c: {  	_ =	shalt  }
0x7d: {  	_ =	shalt  }
0x7e: {  	_ =	shalt  }
0x7f: {  	_ =	shalt  }
0x80: {  	_ =	shalt  }
0x81: {  	_ =	shalt  }
0x82: {  	_ =	shalt  }
0x83: {  	_ =	shalt  }
0x84: {  	_ =	shalt  }
0x85: {  	_ =	shalt  }
0x86: {  	_ =	shalt  }
0x87: {  	_ =	shalt  }
.Lfunc_end0:
.L_simem_size_0:
called_computation_lowered:
.L_overlay_start_0:
0x88: {  	s2 =	sld [smem:$0x3FD9]  }
0x89: {  	s3 =	sld [smem:$0x3FFE];
	_ =	sdelay $0x1  }
0x8a: {  	s1 =	srdreg.scid  }
0x8b: {  	s0 =	sand.u32 $0x1, s1  }
0x8c: {  	s17 =	sshll.u32 s0, $0xA;
	s2 =	sadd.s32 s3, s2  }
0x8d: {  	s2 =	sadd.s32 s2, s17  }
0x8e: {  	[smem:$0x3FBE] =	sst s2  }
0x8f: {  	_ = 	snop  }
0x90: {  	s2 =	sld [smem:$0x3FC9]  }
0x91: {  	s18 =	sld [smem:$0x3FD0];
	(tm) =	ssettm $0x1  }
0x92: {  	s4 =	sld [smem:$0x3FFB];
	_ =	sdelay $0x3  }
0x93: {  	_ =	strace s4  }
0x94: {  	s4 =	sld [smem:$0x3FFC];
	_ =	sdelay $0x3  }
0x95: {  	_ =	strace s4  }
0x96: {  	s4 =	sld [smem:$0x3FFD];
	_ =	sdelay $0x3  }
0x97: {  	_ =	strace s4  }
0x98: {  	_ =	strace $0x8FFFFFFF  }
0x99: {  	s19 =	sld [smem:$0x3FDB];
	_ =	sdelay $0x1  }
0x9a: {  	s5 =	simm.s32 $_scs_section_size  }
0x9b: {  	s6 =	simm.s32 $_size__tile_overlayer_lowered;
	s7 =	simm.s32 $_tile_overlayer_lowered  }
0x9c: {  	s22 =	simm.s32 $0x1BFF;
	s21 =	sshll.u32 s7, $0x1;
	s4 =	sadd.s32 s5, s19  }
0x9d: {  	s8 =	simm.s32 $0x0;
	s20 =	sshll.u32 s6, $0x1;
	s6 =	sadd.s32 s21, s4  }
0x9e: {  	[timem:s8], [sflag:s22] =	dma.local [hbm:s6], s20  }
0x9f: {  	_ =	swait.ge [sflag:s22], s20  }
0xa0: {  	s5 =	ssub.s32 $0x0, s20;
	[sflag:s22] =	ssyncset.done $0x0  }
0xa1: {  	[sflag:s22] =	ssyncadd.s32 s5;
	_ =	sdelay $0x1  }
0xa2: {  	s23 =	simm.s32 $0x1B8B  }
0xa3: {  	_ =	swait.ge [sflag:s23], $0x1  }
0xa4: {  	[sflag:s23] =	ssyncset.done $0x0  }
0xa5: {  	s25 =	simm.s32 $0x1B8E;
	s24 =	sld [smem:$0x3FFE];
	[sflag:s23] =	ssyncadd.s32 $0xFFFFFFFF  }
0xa6: {  	s26 =	simm.s32 $execute0_lowered;
	[smem:$0x3FD2] =	sst s25  }
0xa7: {  	s6 =	sshll.u32 s26, $0x1;
	_ =	strace $0x80000046;
	[dreg:$0x1] =	wrdreg $0xFFFFFFFF  }
0xa8: {  	s28 =	simm.s32 $_size_execute0_lowered;
	s4 =	sadd.s32 s4, s6;
	[dreg:$0x0] =	wrdreg $0x0  }
0xa9: {  	s6 =	sshll.u32 s28, $0x1;
	[dreg:$0x2] =	wrdreg s4  }
0xaa: {  	[dreg:$0x3] =	wrdreg s6  }
0xab: {  	[dreg:$0x4] =	wrdreg $0xC0  }
0xac: {  	_ =	task [dreg:s8], $0x5FFFF  }
0xad: {  	[dreg:$0x1] =	wrdreg $0xFFFFFFFF  }
0xae: {  	[dreg:$0x0] =	wrdreg $0x60  }
0xaf: {  	[dreg:$0x2] =	wrdreg s2  }
0xb0: {  	[dreg:$0x3] =	wrdreg s24  }
0xb1: {  	[dreg:$0x4] =	wrdreg s18  }
0xb2: {  	[dreg:$0x5] =	wrdreg $0x90000  }
0xb3: {  	[dreg:$0x6] =	wrdreg $0x9  }
0xb4: {  	_ =	task.clear_ibuf [dreg:s8], $0x7FFFF;
	_ =	strace $0x90000046  }
0xb5: {  	s29 =	simm.s32 $0x9;
	_ =	strace $0x80000048  }
0xb6: {  	_ =	swait.ge [sflag:s29], $0x1  }
0xb7: {  	[sflag:s29] =	ssyncadd.s32 $0xFFFFFFFF  }
0xb8: {  	_ =	strace $0x90000048  }
0xb9: {  	_ =	sfence  }
0xba: {  	s30 =	sld [smem:$0x0];
	_ =	sdelay $0x2  }
0xbb: {  	s31 =	sshll.u32 s1, $0xD;
	s1 =	sshrl.u32 s1, $0x2  }
0xbc: {  	s3 =	sand.u32 $0x4000, s31;
	s1 =	sadd.s32 s1, s30  }
0xbd: {  	s0 =	sor.u32 s3, s0;
	s1 =	sshll.u32 s1, $0x11  }
0xbe: {  	s0 =	sor.u32 s1, s0  }
0xbf: {  	s0 =	sadd.s32 $0x8F2B, s0  }
0xc0: {  	[sflag:s0] =	ssyncadd.remote.s32 $0x1  }
0xc1: {  	_ =	sfence.sel $0xFFFF  }
0xc2: {  	[dreg:$0x0] =	wrdreg $0xFFFFFFFF;
	(pc) =	sbr.abs _section_cstart, $3  }
0xc3: {  	[dreg:$0x1] =	wrdreg $0xFFFFFFFF  }
0xc4: {  	_ =	task.clear_ibuf [dreg:s8], $0x2FFFF;
	_ =	strace $0x9FFFFFFF  }
0xc5: {  	(tm) =	ssettm $0x7FFFFFFF  }
tec
execute0_lowered:
.L_overlay_start_1:
0x0: {  	(tag) =	ssettag $0x1  }
0x1: {  	s0 =	rddreg [dreg:$0x0]  }
0x2: {  	s7 =	rddreg [dreg:$0x1]  }
0x3: {  	s3 =	rddreg [dreg:$0x2]  }
0x4: {  	s1 =	srdreg.scid;
	s4 =	rddreg [dreg:$0x3]  }
0x5: {  	s5 =	simm.s32 $0x0;
	s14 =	simm.s32 $0x80;
	s15 =	simm.s32 $0x5000  }
0x6: {  	s16 =	simm.s32 $0x1;
	s6 =	sand.u32 $0x1, s1;
	s1 =	stileid.u32  }
0x7: {  	[smem:$0x7FF] =	sst s5;
	s2 =	sshll.u32 s6, $0x4;
	s9 =	smul.u32 $0x28000, s6  }
0x8: {  	s10 =	ssub.s32 $0x2, s6;
	s11 =	smul.u32 $0x50000, s1;
	s6 =	sadd.s32 $0x16800, s7  }
0x9: {  	s18 =	smul.u32 $0x2800, s1;
	s31 =	sshll.u32 s1, $0x6;
	s8 =	sor.u32 s1, s2  }
0xa: {  	s2 =	rddreg [dreg:$0x4];
	_ =	strace $0x80000047;
	s12 =	sshrl.u32 s10, $0x1  }
0xb: {  	s8 =	smul.u32 $0x500, s8;
	s9 =	sadd.s32 s9, s7;
	s11 =	sshrl.u32 s11, $0x2  }
0xc: {  	s10 =	ssub.s32 s10, s12;
	s12 =	sor.u32 $0x1C02, s31;
	s13 =	sadd.s32 s11, s4  }
0xd: {  	s17 =	sadd.s32 $0x19000, s9;
	s19 =	sadd.s32 $0x69000, s9;
	s9 =	smax.u32 s10, $0x1  }
0xe: {  	s10 =	simm.s32 $0x2;
	s11 =	simm.s32 $0x2800;
	s8 =	sadd.s32 s8, s7  }
0xf: {  	s13 =	sshrl.u32 s13, $0x3;
	s17 =	sadd.s32 s18, s17;
	s18 =	sadd.s32 s18, s19  }
0x10: {  	s19 =	simm.s32 $0x0;
	s7 =	sadd.s32 $0x2800, s8;
	s8 =	sadd.s32 $0xC800, s8  }
.LBB2_1:
0x11: {  	[tilespmem:s5], [sflag:$0x2] =	stream.linear.gather [hbm4b:s7+s5], $0x2780, $0x38;
	[tilespmem:$0x1D000] =	vst v63  }
0x12: {  	_ =	swait.ge [sflag:s10], $0x2780  }
0x13: {  	[sflag:s10] =	ssyncset.done $0x0  }
0x14: {  	[sflag:s10] =	ssyncadd.s32 $0xFFFFD880  }
0x15: {  	[tilespmem:s11], [sflag:$0x2] =	stream.linear.gather [hbm4b:s8+s5], $0x2780, $0x38;
	[tilespmem:$0x1D000] =	vst v63  }
0x16: {  	_ =	swait.ge [sflag:s10], $0x2780  }
0x17: {  	[sflag:s10] =	ssyncset.done $0x0  }
0x18: {  	[sflag:s10] =	ssyncadd.s32 $0xFFFFD880  }
0x19: {  	[spmem:s13], [sflag:s12] =	dma.local [hbm:s6], $0x2800  }
0x1a: {  	_ =	swait.ge [sflag:s10], $0x2800  }
0x1b: {  	[sflag:s10] =	ssyncset.done $0x0  }
0x1c: {  	[sflag:s10] =	ssyncadd.s32 $0xFFFFD800  }
0x1d: {  	s20 =	simm.s32 $0x0;
	[bflag:$0x0] =	sbarrier.arrive $0xFFFF  }
0x1e: {  	[tilespmem:s15], [sflag:$0x1] =	stream.indirect.gather [hbm4b:s0+s14], $0x80, s20, s14, $0xb8;
	[tilespmem:$0x1D000] =	vst v63  }
0x1f: {  	_ =	swait.ge [sflag:s16], $0x4000  }
0x20: {  	[sflag:s16] =	ssyncset.done $0x0  }
0x21: {  	s31 =	simm.s32 $0x2800;
	[sflag:s16] =	ssyncadd.s32 $0xFFFFC000  }
0x22: {  	[spmem:s4] =	stream.indirect.scatter.add.f32 [tilespmem:s15], [sflag:$0x2], $0x80, s31, s14, $0xb8;
	[tilespmem:$0x1D000] =	vst v63  }
0x23: {  	_ =	swait.ge [sflag:s10], $0x4000  }
0x24: {  	s21 =	simm.s32 $0x400;
	s20 =	simm.s32 $0x200;
	[sflag:s10] =	ssyncset.done $0x0  }
.LBB2_2:
0x25: {  	s22 =	sshra.s32 s20, $0x2  }
0x26: {  	[sflag:s10] =	ssyncadd.s32 $0xFFFFC000;
	s20 =	smov.u32 s21;
	s23 =	sadd.s32 $0x200, s21  }
0x27: {  	[tilespmem:s15], [sflag:$0x1] =	stream.indirect.gather [hbm4b:s0+s14], $0x80, s22, s14, $0xb8;
	[tilespmem:$0x1D000] =	vst v63  }
0x28: {  	p0 =	sne.s32 s21, $0x9C00;
	_ =	swait.ge [sflag:s16], $0x4000  }
.Ltmp0:
0x29: {  	[sflag:s16] =	ssyncset.done $0x0;
	(pc) =	sbr.rel @p0 .LBB2_2-.Ltmp0, $4  }
0x2a: {  	s21 =	sadd.s32 $0x2800, s22;
	[sflag:s16] =	ssyncadd.s32 $0xFFFFC000  }
0x2b: {  	[spmem:s4] =	stream.indirect.scatter.add.f32 [tilespmem:s15], [sflag:$0x2], $0x80, s21, s14, $0xb8;
	[tilespmem:$0x1D000] =	vst v63  }
0x2c: {  	_ =	swait.ge [sflag:s10], $0x4000  }
0x2d: {  	s21 =	smov.u32 s23;
	[sflag:s10] =	ssyncset.done $0x0  }
0x2e: {  	s20 =	sshra.s32 s20, $0x2;
	[sflag:s10] =	ssyncadd.s32 $0xFFFFC000  }
0x2f: {  	[tilespmem:s15], [sflag:$0x1] =	stream.indirect.gather [hbm4b:s0+s14], $0x80, s20, s14, $0xb8;
	[tilespmem:$0x1D000] =	vst v63  }
0x30: {  	_ =	swait.ge [sflag:s16], $0x4000  }
0x31: {  	[sflag:s16] =	ssyncset.done $0x0  }
0x32: {  	s20 =	sadd.s32 $0x2800, s20;
	[sflag:s16] =	ssyncadd.s32 $0xFFFFC000  }
0x33: {  	[spmem:s4] =	stream.indirect.scatter.add.f32 [tilespmem:s15], [sflag:$0x2], $0x80, s20, s14, $0xb8;
	[tilespmem:$0x1D000] =	vst v63  }
0x34: {  	_ =	swait.ge [sflag:s10], $0x4000  }
0x35: {  	[sflag:s10] =	ssyncset.done $0x0  }
0x36: {  	[sflag:s10] =	ssyncadd.s32 $0xFFFFC000  }
0x37: {  	[bflag:$0x0] =	sbarrier.arrive $0xFFFF  }
0x38: {  	[hbm:s17], [sflag:s12] =	dma.local [spmem:s13], $0x2800  }
0x39: {  	_ =	swait.ge [sflag:s10], $0x2800  }
0x3a: {  	[sflag:s10] =	ssyncset.done $0x0  }
0x3b: {  	[sflag:s10] =	ssyncadd.s32 $0xFFFFD800  }
0x3c: {  	[spmem:s13], [sflag:s12] =	dma.local [hbm:s6], $0x2800  }
0x3d: {  	_ =	swait.ge [sflag:s10], $0x2800  }
0x3e: {  	[sflag:s10] =	ssyncset.done $0x0  }
0x3f: {  	s30 =	simm.s32 $0x0;
	[sflag:s10] =	ssyncadd.s32 $0xFFFFD800  }
0x40: {  	[tilespmem:s15], [sflag:$0x2] =	stream.linear.gather [hbm4b:s3+s30], $0x4000, $0x38;
	[tilespmem:$0x1D000] =	vst v63  }
0x41: {  	_ =	swait.ge [sflag:s10], $0x4000  }
0x42: {  	[sflag:s10] =	ssyncset.done $0x0  }
0x43: {  	[sflag:s10] =	ssyncadd.s32 $0xFFFFC000  }
0x44: {  	s31 =	simm.s32 $0x2800;
	[bflag:$0x0] =	sbarrier.arrive $0xFFFF  }
0x45: {  	[spmem:s4] =	stream.indirect.scatter.add.f32 [tilespmem:s15], [sflag:$0x2], $0x80, s31, s14, $0xb8;
	[tilespmem:$0x1D000] =	vst v63  }
0x46: {  	s20 =	simm.s32 $0x200;
	_ =	swait.ge [sflag:s10], $0x4000  }
.LBB2_4:
0x47: {  	s21 =	sshra.s32 s20, $0x2;
	[sflag:s10] =	ssyncset.done $0x0;
	p0 =	sne.s32 s20, $0x9C00  }
.Ltmp1:
0x48: {  	s21 =	sadd.s32 $0x2800, s21;
	[sflag:s10] =	ssyncadd.s32 $0xFFFFC000;
	(pc) =	sbr.rel @p0 .LBB2_4-.Ltmp1, $3  }
0x49: {  	[spmem:s4] =	stream.indirect.scatter.add.f32 [tilespmem:s15], [sflag:$0x2], $0x80, s21, s14, $0xb8;
	[tilespmem:$0x1D000] =	vst v63  }
0x4a: {  	s20 =	sadd.s32 $0x200, s20;
	_ =	sdelay $0x1  }
0x4b: {  	_ =	swait.ge [sflag:s10], $0x4000  }
0x4c: {  	[sflag:s10] =	ssyncset.done $0x0;
	s19 =	sadd.s32 $0x1, s19  }
0x4d: {  	[sflag:s10] =	ssyncadd.s32 $0xFFFFC000;
	p0 =	sne.s32 s19, s9  }
.Ltmp2:
0x4e: {  	[bflag:$0x0] =	sbarrier.arrive $0xFFFF;
	(pc) =	sbr.rel @p0 .LBB2_1-.Ltmp2, $4  }
0x4f: {  	[hbm:s18], [sflag:s12] =	dma.local [spmem:s13], $0x2800  }
0x50: {  	_ =	swait.ge [sflag:s10], $0x2800  }
0x51: {  	[sflag:s10] =	ssyncset.done $0x0  }
0x52: {  	[sflag:s10] =	ssyncadd.s32 $0xFFFFD800  }
0x53: {  	_ =	sfence.sel $0x180000  }
0x54: {  	[bflag:$0x0] =	sbarrier.arrive $0xFFFF  }
0x55: {  	p0 =	sne.s32 s1, $0x0;
	_ =	strace $0x90000047  }
0x56: {  	s0 =	sadd.s32 @!p0 $0x100000, s2;
	[bflag:$0x2] =	sbarrier.arrive $0xFFFF  }
0x57: {  	[sflag:s0] =	ssyncadd.tile.s32 @!p0 $0x1;
	_ =	shalt  }
.Lfunc_end2:
_tile_overlayer_lowered:
.L_overlay_start_2:
0x58: {  	(tag) =	ssettag $0x2  }
0x59: {  	s0 =	rddreg [dreg:$0x0];
	s2 =	stileid.u32  }
0x5a: {  	s1 =	rddreg [dreg:$0x1];
	p0 =	sne.s32 s2, $0x0  }
0x5b: {  	s3 =	rddreg [dreg:$0x2];
	[bflag:$0x3] =	sbarrier.arrive $0xFFFF;
	s2 =	simm.s32 @!p0 $0x1C02  }
0x5c: {  	[timem:s3], [sflag:s2] =	dma.local @!p0 [hbm:s0], s1  }
0x5d: {  	s0 =	simm.s32 @!p0 $0x2  }
0x5e: {  	_ =	swait.ge @!p0 [sflag:s0], s1  }
0x5f: {  	s1 =	ssub.s32 @!p0 $0x0, s1;
	[sflag:s0] =	ssyncset.done @!p0 $0x0  }
0x60: {  	[sflag:s0] =	ssyncadd.s32 @!p0 s1  }
0x61: {  	[bflag:$0x3] =	sbarrier.arrive $0xFFFF  }
0x62: {  	_ =	shalt  }

</sc_bundles>
